<compile_context>
chip_gen: v7x
topology: tpu7x:2x2x1
jax: 0.10.2.dev20260603
libtpu: 0.0.44.dev20260713+nightly
codegen_flags: <defaults>
</compile_context>

<pallas_src>
import functools

import jax
import jax.numpy as jnp
from jax import lax
from jax.experimental import pallas as pl
from jax.experimental.pallas import tpu as pltpu
from jax.experimental.pallas import tpu_sc as plsc

_BUFFER_SIZE = 100000
_D = 128
_NUM_CHAINS = 4096
_N_NEW = 204
_N_OLD = _NUM_CHAINS - _N_NEW

_U32 = jnp.uint32


def _u32c(x):
    return _U32(x)


def _rotl(x, r):
    return (x << _u32c(r)) | (x >> _u32c(32 - r))


_ROT0 = (13, 15, 26, 6)
_ROT1 = (17, 29, 16, 24)


def _threefry(k0, k1, x0, x1):
    ks2 = k0 ^ k1 ^ _u32c(0x1BD11BDA)
    ks = (k0, k1, ks2)
    x0 = x0 + k0
    x1 = x1 + k1
    for g in range(5):
        for r in (_ROT0 if g % 2 == 0 else _ROT1):
            x0 = x0 + x1
            x1 = _rotl(x1, r)
            x1 = x1 ^ x0
        x0 = x0 + ks[(g + 1) % 3]
        x1 = x1 + ks[(g + 2) % 3] + _u32c(g + 1)
    return x0, x1


def _uniform_chunk(s10, s11, zeros, lanes_u, flat_base):
    i = flat_base.astype(_U32) + lanes_u
    o0, o1 = _threefry(s10, s11, zeros, i)
    b = ((o0 ^ o1) >> _u32c(9)) | _u32c(0x3F800000)
    f = lax.bitcast_convert_type(b, jnp.float32) - jnp.float32(1.0)
    return jnp.maximum(jnp.float32(-1.0),
                       f * jnp.float32(2.0) + jnp.float32(-1.0))


def _sc_body(buf_hbm, key_hbm, out_hbm, kv, idx_v, new_v,
             rows_v, sem, sem_c):
    wid = lax.axis_index("s") * 2 + lax.axis_index("c")
    zeros = jnp.zeros((16,), _U32)
    lanes = lax.broadcasted_iota(jnp.int32, (16,), 0)
    lanes_u = lanes.astype(_U32)

    pltpu.sync_copy(key_hbm, kv.at[pl.ds(0, 2)])
    kvec = kv[pl.ds(0, 16)]
    _dn = lax.GatherDimensionNumbers(
        offset_dims=(), collapsed_slice_dims=(0,), start_index_map=(0,))

    def _splat(lane):
        idx = jnp.full((16, 1), lane, jnp.int32)
        return lax.gather(kvec, idx, _dn, slice_sizes=(1,),
                          mode=lax.GatherScatterMode.PROMISE_IN_BOUNDS
                          ).astype(_U32)

    k0s = _splat(0)
    k1s = _splat(1)

    ones = jnp.full((16,), _u32c(1))
    a0, a1 = _threefry(k0s, k1s, zeros, zeros)
    s10, s11 = _threefry(k0s, k1s, zeros, ones)
    s20, s21 = _threefry(a0, a1, zeros, ones)
    c20, c21 = _threefry(s20, s21, zeros, ones)

    span = jnp.full((16,), _u32c(_BUFFER_SIZE))

    old_base = jnp.where(wid == 31, 0, 4 + jnp.minimum(wid * 128, 3760))

    def _idx_chunk(c, carry):
        j = (old_base + c * 16).astype(_U32) + lanes_u
        o0, o1 = _threefry(c20, c21, zeros, j)
        idx_v[pl.ds(c * 16, 16)] = ((o0 ^ o1) % span).astype(jnp.int32)
        return carry

    lax.fori_loop(0, 8, _idx_chunk, 0)

    @pl.when(wid < 31)
    def _gather_start():
        pltpu.async_copy(buf_hbm.at[idx_v], rows_v, sem)

    @pl.when(wid == 31)
    def _gather_mixed_start():
        pltpu.async_copy(buf_hbm.at[idx_v.at[pl.ds(0, 4)]],
                         new_v.at[pl.ds(4, 4)], sem)

    @pl.when((wid < 25) | (wid == 31))
    def _new_slab():
        start = jnp.where(wid == 31, 200, wid * 8)
        nchunks = jnp.where(wid == 31, 32, 64)

        def _chunk(c, carry):
            new_v[c // 8, pl.ds((c % 8) * 16, 16)] = _uniform_chunk(
                s10, s11, zeros, lanes_u, start * _D + c * 16)
            return carry

        lax.fori_loop(0, nchunks, _chunk, 0)

        @pl.when(wid == 31)
        def _mixed_wait():
            pltpu.make_async_copy(buf_hbm.at[idx_v.at[pl.ds(0, 4)]],
                                  new_v.at[pl.ds(4, 4)], sem).wait()

        pltpu.async_copy(new_v,
                         out_hbm.at[pl.ds(pl.multiple_of(start, 8), 8)],
                         sem_c)

    @pl.when(wid < 31)
    def _old_slab():
        start = 208 + jnp.minimum(wid * 128, 3760)
        pltpu.make_async_copy(buf_hbm.at[idx_v], rows_v, sem).wait()
        pltpu.sync_copy(rows_v,
                        out_hbm.at[pl.ds(pl.multiple_of(start, 8), 128)])

    @pl.when((wid < 25) | (wid == 31))
    def _new_slab_drain():
        start = jnp.where(wid == 31, 200, wid * 8)
        pltpu.make_async_copy(
            new_v, out_hbm.at[pl.ds(pl.multiple_of(start, 8), 8)],
            sem_c).wait()


_mesh = plsc.VectorSubcoreMesh(core_axis_name="c", subcore_axis_name="s")

_sample = functools.partial(
    pl.kernel,
    mesh=_mesh,
    out_type=jax.ShapeDtypeStruct((_NUM_CHAINS, _D), jnp.float32),
    scratch_types=[
        pltpu.VMEM((16,), jnp.int32),
        pltpu.VMEM((128,), jnp.int32),
        pltpu.VMEM((8, _D), jnp.float32),
        pltpu.VMEM((128, _D), jnp.float32),
        pltpu.SemaphoreType.DMA,
        pltpu.SemaphoreType.DMA,
    ],
)(_sc_body)


def kernel(buffer, key):
    kd = lax.bitcast_convert_type(jax.random.key_data(key), jnp.int32)
    return _sample(buffer, kd)

# --- scband reference (transcript-rebuilt; emitter-appended) ---
"""Pipeline reference for scband-continuous-replay-buffer-3358664425582 (READ-ONLY COPY).

The authoritative reference and input builder live on the scoring server;
editing this copy changes nothing except your own understanding.
"""

import jax, jax.numpy as jnp
import numpy as np

BUFFER_SIZE = 100000
XSHAPE = (128,)
MINVAL = -1.0
MAXVAL = 1.0
NUM_CHAINS = 4096
RATIO_NEW = 0.05
N_NEW = int(NUM_CHAINS * RATIO_NEW)
N_OLD = NUM_CHAINS - N_NEW


def setup_inputs(seed: int = 0) -> dict:
    key = jax.random.key(seed)
    buf_key = jax.random.fold_in(key, 1)
    buffer = jax.random.uniform(buf_key, shape=(BUFFER_SIZE,) + XSHAPE, minval=MINVAL, maxval=MAXVAL)
    sample_key = jax.random.fold_in(key, 2)
    return {"buffer": buffer, "key": sample_key}


def reference(buffer, key):
    # Faithful translation of ContinuousReplayBuffer.sample
    key, subkey = jax.random.split(key, 2)
    new_samples = jax.random.uniform(subkey, minval=MINVAL, maxval=MAXVAL, shape=(N_NEW,) + XSHAPE)
    key, subkey = jax.random.split(key, 2)
    # jax.random.choice over axis 0 == random row gather from the buffer
    old_samples = jax.random.choice(subkey, buffer, shape=(N_OLD,))
    input_samples = jnp.concatenate((new_samples, old_samples), axis=0)
    return input_samples

if __name__ == "__main__":
    import jax
    _d = setup_inputs()
    print(jax.jit(kernel)(*tuple(_d.values())))

</pallas_src>

<mosaic_0001>
#map = affine_map<(d0, d1) -> (0, 0)>
#map1 = affine_map<(d0, d1) -> (0)>
module attributes {stable_mosaic.version = 14 : i64} {
  func.func @_sc_body(%arg0: i32, %arg1: i32, %arg2: memref<100000x128xf32, #tpu.memory_space<hbm>>, %arg3: memref<2xi32, #tpu.memory_space<hbm>>, %arg4: memref<4096x128xf32, #tpu.memory_space<hbm>>, %arg5: memref<16xi32, #tpu.memory_space<vmem>>, %arg6: memref<128xi32, #tpu.memory_space<vmem>>, %arg7: memref<8x128xf32, #tpu.memory_space<vmem>>, %arg8: memref<128x128xf32, #tpu.memory_space<vmem>>, %arg9: memref<!tpu.dma_semaphore, #tpu.memory_space<semaphore_mem>>, %arg10: memref<!tpu.dma_semaphore, #tpu.memory_space<semaphore_mem>>) attributes {dimension_semantics = [#tpu.dimension_semantics<core_parallel>, #tpu.dimension_semantics<subcore_parallel>], iteration_bounds = array<i64: 2, 16>, scalar_prefetch = 0 : i64, scratch_operands = 6 : i64, tpu.core_type = #tpu.core_type<sc_vector_subcore>, window_params = [{transform_indices = #map}, {transform_indices = #map1}, {transform_indices = #map}]} {
    %mul3A = arith.constant 2 : i32
    %mul3A_0 = arith.muli %arg1, %mul3A : i32
    %add3A = arith.addi %mul3A_0, %arg0 : i32
    %broadcast_in_dim3A = arith.constant 0 : i32
    %broadcast_in_dim3A_1 = vector.broadcast %broadcast_in_dim3A : i32 to vector<16xi32>
    %iota3A = tpu.iota {dimensions = array<i32: 0>} : vector<16xi32>
    "tpu.region"() ({
      %run_scoped3A = tpu.sem_alloc : memref<!tpu.dma_semaphore, #tpu.memory_space<semaphore_mem>>
      %dma_start3A = arith.constant 0 : i32
      %dma_start3A_894 = tpu.memref_slice %arg5[%dma_start3A] : memref<16xi32, #tpu.memory_space<vmem>> -> memref<2xi32, #tpu.memory_space<vmem>>
      %dma_start3A_895 = arith.constant 0 : i32
      %dma_start3A_896 = tpu.memref_slice %arg5[%dma_start3A_895] : memref<16xi32, #tpu.memory_space<vmem>> -> memref<2xi32, #tpu.memory_space<vmem>>
      tpu.enqueue_dma source(%arg3 : memref<2xi32, #tpu.memory_space<hbm>>) target(%dma_start3A_896 : memref<2xi32, #tpu.memory_space<vmem>>) target_semaphore(%run_scoped3A : memref<!tpu.dma_semaphore, #tpu.memory_space<semaphore_mem>>)
      %dma_wait3A = arith.constant 0 : i32
      %dma_wait3A_897 = tpu.memref_slice %arg5[%dma_wait3A] : memref<16xi32, #tpu.memory_space<vmem>> -> memref<2xi32, #tpu.memory_space<vmem>>
      %dma_wait3A_898 = arith.constant 0 : i32
      %dma_wait3A_899 = tpu.memref_slice %arg5[%dma_wait3A_898] : memref<16xi32, #tpu.memory_space<vmem>> -> memref<2xi32, #tpu.memory_space<vmem>>
      tpu.wait_dma2 semaphore(%run_scoped3A : memref<!tpu.dma_semaphore, #tpu.memory_space<semaphore_mem>>) src(%arg3 : memref<2xi32, #tpu.memory_space<hbm>>) dst(%dma_wait3A_899 : memref<2xi32, #tpu.memory_space<vmem>>)
      tpu.yield
    }) : () -> ()
    %get3A = arith.constant 0 : index
    %get3A_2 = tpu.vector_load %arg5[%get3A] {strides = array<i32>} : memref<16xi32, #tpu.memory_space<vmem>>, vector<16xi32>,
    %get3A_3 = vector.shape_cast %get3A_2 : vector<16xi32> to vector<16xi32>
    %broadcast_in_dim3A_4 = arith.constant 0 : i32
    %broadcast_in_dim3A_5 = vector.broadcast %broadcast_in_dim3A_4 : i32 to vector<16x1xi32>
    %gather3A = vector.shape_cast %broadcast_in_dim3A_5 : vector<16x1xi32> to vector<16xi32>
    %gather3A_6 = tpu.dynamic_gather %get3A_3[%gather3A] in [0] : vector<16xi32>, vector<16xi32> -> vector<16xi32>
    %broadcast_in_dim3A_7 = arith.constant 1 : i32
    %broadcast_in_dim3A_8 = vector.broadcast %broadcast_in_dim3A_7 : i32 to vector<16x1xi32>
    %gather3A_9 = vector.shape_cast %broadcast_in_dim3A_8 : vector<16x1xi32> to vector<16xi32>
    %gather3A_10 = tpu.dynamic_gather %get3A_3[%gather3A_9] in [0] : vector<16xi32>, vector<16xi32> -> vector<16xi32>
    %broadcast_in_dim3A_11 = arith.constant 1 : i32
    %broadcast_in_dim3A_12 = vector.broadcast %broadcast_in_dim3A_11 : i32 to vector<16xi32>
    %xor3A = arith.xori %gather3A_6, %gather3A_10 : vector<16xi32>
    %xor3A_13 = arith.constant 466688986 : i32
    %xor3A_14 = vector.broadcast %xor3A_13 : i32 to vector<16xi32>
    %xor3A_15 = arith.xori %xor3A, %xor3A_14 : vector<16xi32>
    %add3A_16 = arith.addi %broadcast_in_dim3A_1, %gather3A_6 : vector<16xi32>
    %add3A_17 = arith.addi %broadcast_in_dim3A_1, %gather3A_10 : vector<16xi32>
    %add3A_18 = arith.addi %add3A_16, %add3A_17 : vector<16xi32>
    %shift_left3A = arith.constant 13 : i32
    %shift_left3A_19 = vector.broadcast %shift_left3A : i32 to vector<16xi32>
    %shift_left3A_20 = arith.shli %add3A_17, %shift_left3A_19 : vector<16xi32>
    %shift_right_logical3A = arith.constant 19 : i32
    %shift_right_logical3A_21 = vector.broadcast %shift_right_logical3A : i32 to vector<16xi32>
    %shift_right_logical3A_22 = arith.shrui %add3A_17, %shift_right_logical3A_21 : vector<16xi32>
    %or3A = arith.ori %shift_left3A_20, %shift_right_logical3A_22 : vector<16xi32>
    %xor3A_23 = arith.xori %or3A, %add3A_18 : vector<16xi32>
    %add3A_24 = arith.addi %add3A_18, %xor3A_23 : vector<16xi32>
    %shift_left3A_25 = arith.constant 15 : i32
    %shift_left3A_26 = vector.broadcast %shift_left3A_25 : i32 to vector<16xi32>
    %shift_left3A_27 = arith.shli %xor3A_23, %shift_left3A_26 : vector<16xi32>
    %shift_right_logical3A_28 = arith.constant 17 : i32
    %shift_right_logical3A_29 = vector.broadcast %shift_right_logical3A_28 : i32 to vector<16xi32>
    %shift_right_logical3A_30 = arith.shrui %xor3A_23, %shift_right_logical3A_29 : vector<16xi32>
    %or3A_31 = arith.ori %shift_left3A_27, %shift_right_logical3A_30 : vector<16xi32>
    %xor3A_32 = arith.xori %or3A_31, %add3A_24 : vector<16xi32>
    %add3A_33 = arith.addi %add3A_24, %xor3A_32 : vector<16xi32>
    %shift_left3A_34 = arith.constant 26 : i32
    %shift_left3A_35 = vector.broadcast %shift_left3A_34 : i32 to vector<16xi32>
    %shift_left3A_36 = arith.shli %xor3A_32, %shift_left3A_35 : vector<16xi32>
    %shift_right_logical3A_37 = arith.constant 6 : i32
    %shift_right_logical3A_38 = vector.broadcast %shift_right_logical3A_37 : i32 to vector<16xi32>
    %shift_right_logical3A_39 = arith.shrui %xor3A_32, %shift_right_logical3A_38 : vector<16xi32>
    %or3A_40 = arith.ori %shift_left3A_36, %shift_right_logical3A_39 : vector<16xi32>
    %xor3A_41 = arith.xori %or3A_40, %add3A_33 : vector<16xi32>
    %add3A_42 = arith.addi %add3A_33, %xor3A_41 : vector<16xi32>
    %shift_left3A_43 = arith.constant 6 : i32
    %shift_left3A_44 = vector.broadcast %shift_left3A_43 : i32 to vector<16xi32>
    %shift_left3A_45 = arith.shli %xor3A_41, %shift_left3A_44 : vector<16xi32>
    %shift_right_logical3A_46 = arith.constant 26 : i32
    %shift_right_logical3A_47 = vector.broadcast %shift_right_logical3A_46 : i32 to vector<16xi32>
    %shift_right_logical3A_48 = arith.shrui %xor3A_41, %shift_right_logical3A_47 : vector<16xi32>
    %or3A_49 = arith.ori %shift_left3A_45, %shift_right_logical3A_48 : vector<16xi32>
    %xor3A_50 = arith.xori %or3A_49, %add3A_42 : vector<16xi32>
    %add3A_51 = arith.addi %add3A_42, %gather3A_10 : vector<16xi32>
    %add3A_52 = arith.addi %xor3A_50, %xor3A_15 : vector<16xi32>
    %add3A_53 = arith.constant 1 : i32
    %add3A_54 = vector.broadcast %add3A_53 : i32 to vector<16xi32>
    %add3A_55 = arith.addi %add3A_52, %add3A_54 : vector<16xi32>
    %add3A_56 = arith.addi %add3A_51, %add3A_55 : vector<16xi32>
    %shift_left3A_57 = arith.constant 17 : i32
    %shift_left3A_58 = vector.broadcast %shift_left3A_57 : i32 to vector<16xi32>
    %shift_left3A_59 = arith.shli %add3A_55, %shift_left3A_58 : vector<16xi32>
    %shift_right_logical3A_60 = arith.constant 15 : i32
    %shift_right_logical3A_61 = vector.broadcast %shift_right_logical3A_60 : i32 to vector<16xi32>
    %shift_right_logical3A_62 = arith.shrui %add3A_55, %shift_right_logical3A_61 : vector<16xi32>
    %or3A_63 = arith.ori %shift_left3A_59, %shift_right_logical3A_62 : vector<16xi32>
    %xor3A_64 = arith.xori %or3A_63, %add3A_56 : vector<16xi32>
    %add3A_65 = arith.addi %add3A_56, %xor3A_64 : vector<16xi32>
    %shift_left3A_66 = arith.constant 29 : i32
    %shift_left3A_67 = vector.broadcast %shift_left3A_66 : i32 to vector<16xi32>
    %shift_left3A_68 = arith.shli %xor3A_64, %shift_left3A_67 : vector<16xi32>
    %shift_right_logical3A_69 = arith.constant 3 : i32
    %shift_right_logical3A_70 = vector.broadcast %shift_right_logical3A_69 : i32 to vector<16xi32>
    %shift_right_logical3A_71 = arith.shrui %xor3A_64, %shift_right_logical3A_70 : vector<16xi32>
    %or3A_72 = arith.ori %shift_left3A_68, %shift_right_logical3A_71 : vector<16xi32>
    %xor3A_73 = arith.xori %or3A_72, %add3A_65 : vector<16xi32>
    %add3A_74 = arith.addi %add3A_65, %xor3A_73 : vector<16xi32>
    %shift_left3A_75 = arith.constant 16 : i32
    %shift_left3A_76 = vector.broadcast %shift_left3A_75 : i32 to vector<16xi32>
    %shift_left3A_77 = arith.shli %xor3A_73, %shift_left3A_76 : vector<16xi32>
    %shift_right_logical3A_78 = arith.constant 16 : i32
    %shift_right_logical3A_79 = vector.broadcast %shift_right_logical3A_78 : i32 to vector<16xi32>
    %shift_right_logical3A_80 = arith.shrui %xor3A_73, %shift_right_logical3A_79 : vector<16xi32>
    %or3A_81 = arith.ori %shift_left3A_77, %shift_right_logical3A_80 : vector<16xi32>
    %xor3A_82 = arith.xori %or3A_81, %add3A_74 : vector<16xi32>
    %add3A_83 = arith.addi %add3A_74, %xor3A_82 : vector<16xi32>
    %shift_left3A_84 = arith.constant 24 : i32
    %shift_left3A_85 = vector.broadcast %shift_left3A_84 : i32 to vector<16xi32>
    %shift_left3A_86 = arith.shli %xor3A_82, %shift_left3A_85 : vector<16xi32>
    %shift_right_logical3A_87 = arith.constant 8 : i32
    %shift_right_logical3A_88 = vector.broadcast %shift_right_logical3A_87 : i32 to vector<16xi32>
    %shift_right_logical3A_89 = arith.shrui %xor3A_82, %shift_right_logical3A_88 : vector<16xi32>
    %or3A_90 = arith.ori %shift_left3A_86, %shift_right_logical3A_89 : vector<16xi32>
    %xor3A_91 = arith.xori %or3A_90, %add3A_83 : vector<16xi32>
    %add3A_92 = arith.addi %add3A_83, %xor3A_15 : vector<16xi32>
    %add3A_93 = arith.addi %xor3A_91, %gather3A_6 : vector<16xi32>
    %add3A_94 = arith.constant 2 : i32
    %add3A_95 = vector.broadcast %add3A_94 : i32 to vector<16xi32>
    %add3A_96 = arith.addi %add3A_93, %add3A_95 : vector<16xi32>
    %add3A_97 = arith.addi %add3A_92, %add3A_96 : vector<16xi32>
    %shift_left3A_98 = arith.constant 13 : i32
    %shift_left3A_99 = vector.broadcast %shift_left3A_98 : i32 to vector<16xi32>
    %shift_left3A_100 = arith.shli %add3A_96, %shift_left3A_99 : vector<16xi32>
    %shift_right_logical3A_101 = arith.constant 19 : i32
    %shift_right_logical3A_102 = vector.broadcast %shift_right_logical3A_101 : i32 to vector<16xi32>
    %shift_right_logical3A_103 = arith.shrui %add3A_96, %shift_right_logical3A_102 : vector<16xi32>
    %or3A_104 = arith.ori %shift_left3A_100, %shift_right_logical3A_103 : vector<16xi32>
    %xor3A_105 = arith.xori %or3A_104, %add3A_97 : vector<16xi32>
    %add3A_106 = arith.addi %add3A_97, %xor3A_105 : vector<16xi32>
    %shift_left3A_107 = arith.constant 15 : i32
    %shift_left3A_108 = vector.broadcast %shift_left3A_107 : i32 to vector<16xi32>
    %shift_left3A_109 = arith.shli %xor3A_105, %shift_left3A_108 : vector<16xi32>
    %shift_right_logical3A_110 = arith.constant 17 : i32
    %shift_right_logical3A_111 = vector.broadcast %shift_right_logical3A_110 : i32 to vector<16xi32>
    %shift_right_logical3A_112 = arith.shrui %xor3A_105, %shift_right_logical3A_111 : vector<16xi32>
    %or3A_113 = arith.ori %shift_left3A_109, %shift_right_logical3A_112 : vector<16xi32>
    %xor3A_114 = arith.xori %or3A_113, %add3A_106 : vector<16xi32>
    %add3A_115 = arith.addi %add3A_106, %xor3A_114 : vector<16xi32>
    %shift_left3A_116 = arith.constant 26 : i32
    %shift_left3A_117 = vector.broadcast %shift_left3A_116 : i32 to vector<16xi32>
    %shift_left3A_118 = arith.shli %xor3A_114, %shift_left3A_117 : vector<16xi32>
    %shift_right_logical3A_119 = arith.constant 6 : i32
    %shift_right_logical3A_120 = vector.broadcast %shift_right_logical3A_119 : i32 to vector<16xi32>
    %shift_right_logical3A_121 = arith.shrui %xor3A_114, %shift_right_logical3A_120 : vector<16xi32>
    %or3A_122 = arith.ori %shift_left3A_118, %shift_right_logical3A_121 : vector<16xi32>
    %xor3A_123 = arith.xori %or3A_122, %add3A_115 : vector<16xi32>
    %add3A_124 = arith.addi %add3A_115, %xor3A_123 : vector<16xi32>
    %shift_left3A_125 = arith.constant 6 : i32
    %shift_left3A_126 = vector.broadcast %shift_left3A_125 : i32 to vector<16xi32>
    %shift_left3A_127 = arith.shli %xor3A_123, %shift_left3A_126 : vector<16xi32>
    %shift_right_logical3A_128 = arith.constant 26 : i32
    %shift_right_logical3A_129 = vector.broadcast %shift_right_logical3A_128 : i32 to vector<16xi32>
    %shift_right_logical3A_130 = arith.shrui %xor3A_123, %shift_right_logical3A_129 : vector<16xi32>
    %or3A_131 = arith.ori %shift_left3A_127, %shift_right_logical3A_130 : vector<16xi32>
    %xor3A_132 = arith.xori %or3A_131, %add3A_124 : vector<16xi32>
    %add3A_133 = arith.addi %add3A_124, %gather3A_6 : vector<16xi32>
    %add3A_134 = arith.addi %xor3A_132, %gather3A_10 : vector<16xi32>
    %add3A_135 = arith.constant 3 : i32
    %add3A_136 = vector.broadcast %add3A_135 : i32 to vector<16xi32>
    %add3A_137 = arith.addi %add3A_134, %add3A_136 : vector<16xi32>
    %add3A_138 = arith.addi %add3A_133, %add3A_137 : vector<16xi32>
    %shift_left3A_139 = arith.constant 17 : i32
    %shift_left3A_140 = vector.broadcast %shift_left3A_139 : i32 to vector<16xi32>
    %shift_left3A_141 = arith.shli %add3A_137, %shift_left3A_140 : vector<16xi32>
    %shift_right_logical3A_142 = arith.constant 15 : i32
    %shift_right_logical3A_143 = vector.broadcast %shift_right_logical3A_142 : i32 to vector<16xi32>
    %shift_right_logical3A_144 = arith.shrui %add3A_137, %shift_right_logical3A_143 : vector<16xi32>
    %or3A_145 = arith.ori %shift_left3A_141, %shift_right_logical3A_144 : vector<16xi32>
    %xor3A_146 = arith.xori %or3A_145, %add3A_138 : vector<16xi32>
    %add3A_147 = arith.addi %add3A_138, %xor3A_146 : vector<16xi32>
    %shift_left3A_148 = arith.constant 29 : i32
    %shift_left3A_149 = vector.broadcast %shift_left3A_148 : i32 to vector<16xi32>
    %shift_left3A_150 = arith.shli %xor3A_146, %shift_left3A_149 : vector<16xi32>
    %shift_right_logical3A_151 = arith.constant 3 : i32
    %shift_right_logical3A_152 = vector.broadcast %shift_right_logical3A_151 : i32 to vector<16xi32>
    %shift_right_logical3A_153 = arith.shrui %xor3A_146, %shift_right_logical3A_152 : vector<16xi32>
    %or3A_154 = arith.ori %shift_left3A_150, %shift_right_logical3A_153 : vector<16xi32>
    %xor3A_155 = arith.xori %or3A_154, %add3A_147 : vector<16xi32>
    %add3A_156 = arith.addi %add3A_147, %xor3A_155 : vector<16xi32>
    %shift_left3A_157 = arith.constant 16 : i32
    %shift_left3A_158 = vector.broadcast %shift_left3A_157 : i32 to vector<16xi32>
    %shift_left3A_159 = arith.shli %xor3A_155, %shift_left3A_158 : vector<16xi32>
    %shift_right_logical3A_160 = arith.constant 16 : i32
    %shift_right_logical3A_161 = vector.broadcast %shift_right_logical3A_160 : i32 to vector<16xi32>
    %shift_right_logical3A_162 = arith.shrui %xor3A_155, %shift_right_logical3A_161 : vector<16xi32>
    %or3A_163 = arith.ori %shift_left3A_159, %shift_right_logical3A_162 : vector<16xi32>
    %xor3A_164 = arith.xori %or3A_163, %add3A_156 : vector<16xi32>
    %add3A_165 = arith.addi %add3A_156, %xor3A_164 : vector<16xi32>
    %shift_left3A_166 = arith.constant 24 : i32
    %shift_left3A_167 = vector.broadcast %shift_left3A_166 : i32 to vector<16xi32>
    %shift_left3A_168 = arith.shli %xor3A_164, %shift_left3A_167 : vector<16xi32>
    %shift_right_logical3A_169 = arith.constant 8 : i32
    %shift_right_logical3A_170 = vector.broadcast %shift_right_logical3A_169 : i32 to vector<16xi32>
    %shift_right_logical3A_171 = arith.shrui %xor3A_164, %shift_right_logical3A_170 : vector<16xi32>
    %or3A_172 = arith.ori %shift_left3A_168, %shift_right_logical3A_171 : vector<16xi32>
    %xor3A_173 = arith.xori %or3A_172, %add3A_165 : vector<16xi32>
    %add3A_174 = arith.addi %add3A_165, %gather3A_10 : vector<16xi32>
    %add3A_175 = arith.addi %xor3A_173, %xor3A_15 : vector<16xi32>
    %add3A_176 = arith.constant 4 : i32
    %add3A_177 = vector.broadcast %add3A_176 : i32 to vector<16xi32>
    %add3A_178 = arith.addi %add3A_175, %add3A_177 : vector<16xi32>
    %add3A_179 = arith.addi %add3A_174, %add3A_178 : vector<16xi32>
    %shift_left3A_180 = arith.constant 13 : i32
    %shift_left3A_181 = vector.broadcast %shift_left3A_180 : i32 to vector<16xi32>
    %shift_left3A_182 = arith.shli %add3A_178, %shift_left3A_181 : vector<16xi32>
    %shift_right_logical3A_183 = arith.constant 19 : i32
    %shift_right_logical3A_184 = vector.broadcast %shift_right_logical3A_183 : i32 to vector<16xi32>
    %shift_right_logical3A_185 = arith.shrui %add3A_178, %shift_right_logical3A_184 : vector<16xi32>
    %or3A_186 = arith.ori %shift_left3A_182, %shift_right_logical3A_185 : vector<16xi32>
    %xor3A_187 = arith.xori %or3A_186, %add3A_179 : vector<16xi32>
    %add3A_188 = arith.addi %add3A_179, %xor3A_187 : vector<16xi32>
    %shift_left3A_189 = arith.constant 15 : i32
    %shift_left3A_190 = vector.broadcast %shift_left3A_189 : i32 to vector<16xi32>
    %shift_left3A_191 = arith.shli %xor3A_187, %shift_left3A_190 : vector<16xi32>
    %shift_right_logical3A_192 = arith.constant 17 : i32
    %shift_right_logical3A_193 = vector.broadcast %shift_right_logical3A_192 : i32 to vector<16xi32>
    %shift_right_logical3A_194 = arith.shrui %xor3A_187, %shift_right_logical3A_193 : vector<16xi32>
    %or3A_195 = arith.ori %shift_left3A_191, %shift_right_logical3A_194 : vector<16xi32>
    %xor3A_196 = arith.xori %or3A_195, %add3A_188 : vector<16xi32>
    %add3A_197 = arith.addi %add3A_188, %xor3A_196 : vector<16xi32>
    %shift_left3A_198 = arith.constant 26 : i32
    %shift_left3A_199 = vector.broadcast %shift_left3A_198 : i32 to vector<16xi32>
    %shift_left3A_200 = arith.shli %xor3A_196, %shift_left3A_199 : vector<16xi32>
    %shift_right_logical3A_201 = arith.constant 6 : i32
    %shift_right_logical3A_202 = vector.broadcast %shift_right_logical3A_201 : i32 to vector<16xi32>
    %shift_right_logical3A_203 = arith.shrui %xor3A_196, %shift_right_logical3A_202 : vector<16xi32>
    %or3A_204 = arith.ori %shift_left3A_200, %shift_right_logical3A_203 : vector<16xi32>
    %xor3A_205 = arith.xori %or3A_204, %add3A_197 : vector<16xi32>
    %add3A_206 = arith.addi %add3A_197, %xor3A_205 : vector<16xi32>
    %shift_left3A_207 = arith.constant 6 : i32
    %shift_left3A_208 = vector.broadcast %shift_left3A_207 : i32 to vector<16xi32>
    %shift_left3A_209 = arith.shli %xor3A_205, %shift_left3A_208 : vector<16xi32>
    %shift_right_logical3A_210 = arith.constant 26 : i32
    %shift_right_logical3A_211 = vector.broadcast %shift_right_logical3A_210 : i32 to vector<16xi32>
    %shift_right_logical3A_212 = arith.shrui %xor3A_205, %shift_right_logical3A_211 : vector<16xi32>
    %or3A_213 = arith.ori %shift_left3A_209, %shift_right_logical3A_212 : vector<16xi32>
    %xor3A_214 = arith.xori %or3A_213, %add3A_206 : vector<16xi32>
    %add3A_215 = arith.addi %add3A_206, %xor3A_15 : vector<16xi32>
    %add3A_216 = arith.addi %xor3A_214, %gather3A_6 : vector<16xi32>
    %add3A_217 = arith.constant 5 : i32
    %add3A_218 = vector.broadcast %add3A_217 : i32 to vector<16xi32>
    %add3A_219 = arith.addi %add3A_216, %add3A_218 : vector<16xi32>
    %xor3A_220 = arith.xori %gather3A_6, %gather3A_10 : vector<16xi32>
    %xor3A_221 = arith.constant 466688986 : i32
    %xor3A_222 = vector.broadcast %xor3A_221 : i32 to vector<16xi32>
    %xor3A_223 = arith.xori %xor3A_220, %xor3A_222 : vector<16xi32>
    %add3A_224 = arith.addi %broadcast_in_dim3A_1, %gather3A_6 : vector<16xi32>
    %add3A_225 = arith.addi %broadcast_in_dim3A_12, %gather3A_10 : vector<16xi32>
    %add3A_226 = arith.addi %add3A_224, %add3A_225 : vector<16xi32>
    %shift_left3A_227 = arith.constant 13 : i32
    %shift_left3A_228 = vector.broadcast %shift_left3A_227 : i32 to vector<16xi32>
    %shift_left3A_229 = arith.shli %add3A_225, %shift_left3A_228 : vector<16xi32>
    %shift_right_logical3A_230 = arith.constant 19 : i32
    %shift_right_logical3A_231 = vector.broadcast %shift_right_logical3A_230 : i32 to vector<16xi32>
    %shift_right_logical3A_232 = arith.shrui %add3A_225, %shift_right_logical3A_231 : vector<16xi32>
    %or3A_233 = arith.ori %shift_left3A_229, %shift_right_logical3A_232 : vector<16xi32>
    %xor3A_234 = arith.xori %or3A_233, %add3A_226 : vector<16xi32>
    %add3A_235 = arith.addi %add3A_226, %xor3A_234 : vector<16xi32>
    %shift_left3A_236 = arith.constant 15 : i32
    %shift_left3A_237 = vector.broadcast %shift_left3A_236 : i32 to vector<16xi32>
    %shift_left3A_238 = arith.shli %xor3A_234, %shift_left3A_237 : vector<16xi32>
    %shift_right_logical3A_239 = arith.constant 17 : i32
    %shift_right_logical3A_240 = vector.broadcast %shift_right_logical3A_239 : i32 to vector<16xi32>
    %shift_right_logical3A_241 = arith.shrui %xor3A_234, %shift_right_logical3A_240 : vector<16xi32>
    %or3A_242 = arith.ori %shift_left3A_238, %shift_right_logical3A_241 : vector<16xi32>
    %xor3A_243 = arith.xori %or3A_242, %add3A_235 : vector<16xi32>
    %add3A_244 = arith.addi %add3A_235, %xor3A_243 : vector<16xi32>
    %shift_left3A_245 = arith.constant 26 : i32
    %shift_left3A_246 = vector.broadcast %shift_left3A_245 : i32 to vector<16xi32>
    %shift_left3A_247 = arith.shli %xor3A_243, %shift_left3A_246 : vector<16xi32>
    %shift_right_logical3A_248 = arith.constant 6 : i32
    %shift_right_logical3A_249 = vector.broadcast %shift_right_logical3A_248 : i32 to vector<16xi32>
    %shift_right_logical3A_250 = arith.shrui %xor3A_243, %shift_right_logical3A_249 : vector<16xi32>
    %or3A_251 = arith.ori %shift_left3A_247, %shift_right_logical3A_250 : vector<16xi32>
    %xor3A_252 = arith.xori %or3A_251, %add3A_244 : vector<16xi32>
    %add3A_253 = arith.addi %add3A_244, %xor3A_252 : vector<16xi32>
    %shift_left3A_254 = arith.constant 6 : i32
    %shift_left3A_255 = vector.broadcast %shift_left3A_254 : i32 to vector<16xi32>
    %shift_left3A_256 = arith.shli %xor3A_252, %shift_left3A_255 : vector<16xi32>
    %shift_right_logical3A_257 = arith.constant 26 : i32
    %shift_right_logical3A_258 = vector.broadcast %shift_right_logical3A_257 : i32 to vector<16xi32>
    %shift_right_logical3A_259 = arith.shrui %xor3A_252, %shift_right_logical3A_258 : vector<16xi32>
    %or3A_260 = arith.ori %shift_left3A_256, %shift_right_logical3A_259 : vector<16xi32>
    %xor3A_261 = arith.xori %or3A_260, %add3A_253 : vector<16xi32>
    %add3A_262 = arith.addi %add3A_253, %gather3A_10 : vector<16xi32>
    %add3A_263 = arith.addi %xor3A_261, %xor3A_223 : vector<16xi32>
    %add3A_264 = arith.constant 1 : i32
    %add3A_265 = vector.broadcast %add3A_264 : i32 to vector<16xi32>
    %add3A_266 = arith.addi %add3A_263, %add3A_265 : vector<16xi32>
    %add3A_267 = arith.addi %add3A_262, %add3A_266 : vector<16xi32>
    %shift_left3A_268 = arith.constant 17 : i32
    %shift_left3A_269 = vector.broadcast %shift_left3A_268 : i32 to vector<16xi32>
    %shift_left3A_270 = arith.shli %add3A_266, %shift_left3A_269 : vector<16xi32>
    %shift_right_logical3A_271 = arith.constant 15 : i32
    %shift_right_logical3A_272 = vector.broadcast %shift_right_logical3A_271 : i32 to vector<16xi32>
    %shift_right_logical3A_273 = arith.shrui %add3A_266, %shift_right_logical3A_272 : vector<16xi32>
    %or3A_274 = arith.ori %shift_left3A_270, %shift_right_logical3A_273 : vector<16xi32>
    %xor3A_275 = arith.xori %or3A_274, %add3A_267 : vector<16xi32>
    %add3A_276 = arith.addi %add3A_267, %xor3A_275 : vector<16xi32>
    %shift_left3A_277 = arith.constant 29 : i32
    %shift_left3A_278 = vector.broadcast %shift_left3A_277 : i32 to vector<16xi32>
    %shift_left3A_279 = arith.shli %xor3A_275, %shift_left3A_278 : vector<16xi32>
    %shift_right_logical3A_280 = arith.constant 3 : i32
    %shift_right_logical3A_281 = vector.broadcast %shift_right_logical3A_280 : i32 to vector<16xi32>
    %shift_right_logical3A_282 = arith.shrui %xor3A_275, %shift_right_logical3A_281 : vector<16xi32>
    %or3A_283 = arith.ori %shift_left3A_279, %shift_right_logical3A_282 : vector<16xi32>
    %xor3A_284 = arith.xori %or3A_283, %add3A_276 : vector<16xi32>
    %add3A_285 = arith.addi %add3A_276, %xor3A_284 : vector<16xi32>
    %shift_left3A_286 = arith.constant 16 : i32
    %shift_left3A_287 = vector.broadcast %shift_left3A_286 : i32 to vector<16xi32>
    %shift_left3A_288 = arith.shli %xor3A_284, %shift_left3A_287 : vector<16xi32>
    %shift_right_logical3A_289 = arith.constant 16 : i32
    %shift_right_logical3A_290 = vector.broadcast %shift_right_logical3A_289 : i32 to vector<16xi32>
    %shift_right_logical3A_291 = arith.shrui %xor3A_284, %shift_right_logical3A_290 : vector<16xi32>
    %or3A_292 = arith.ori %shift_left3A_288, %shift_right_logical3A_291 : vector<16xi32>
    %xor3A_293 = arith.xori %or3A_292, %add3A_285 : vector<16xi32>
    %add3A_294 = arith.addi %add3A_285, %xor3A_293 : vector<16xi32>
    %shift_left3A_295 = arith.constant 24 : i32
    %shift_left3A_296 = vector.broadcast %shift_left3A_295 : i32 to vector<16xi32>
    %shift_left3A_297 = arith.shli %xor3A_293, %shift_left3A_296 : vector<16xi32>
    %shift_right_logical3A_298 = arith.constant 8 : i32
    %shift_right_logical3A_299 = vector.broadcast %shift_right_logical3A_298 : i32 to vector<16xi32>
    %shift_right_logical3A_300 = arith.shrui %xor3A_293, %shift_right_logical3A_299 : vector<16xi32>
    %or3A_301 = arith.ori %shift_left3A_297, %shift_right_logical3A_300 : vector<16xi32>
    %xor3A_302 = arith.xori %or3A_301, %add3A_294 : vector<16xi32>
    %add3A_303 = arith.addi %add3A_294, %xor3A_223 : vector<16xi32>
    %add3A_304 = arith.addi %xor3A_302, %gather3A_6 : vector<16xi32>
    %add3A_305 = arith.constant 2 : i32
    %add3A_306 = vector.broadcast %add3A_305 : i32 to vector<16xi32>
    %add3A_307 = arith.addi %add3A_304, %add3A_306 : vector<16xi32>
    %add3A_308 = arith.addi %add3A_303, %add3A_307 : vector<16xi32>
    %shift_left3A_309 = arith.constant 13 : i32
    %shift_left3A_310 = vector.broadcast %shift_left3A_309 : i32 to vector<16xi32>
    %shift_left3A_311 = arith.shli %add3A_307, %shift_left3A_310 : vector<16xi32>
    %shift_right_logical3A_312 = arith.constant 19 : i32
    %shift_right_logical3A_313 = vector.broadcast %shift_right_logical3A_312 : i32 to vector<16xi32>
    %shift_right_logical3A_314 = arith.shrui %add3A_307, %shift_right_logical3A_313 : vector<16xi32>
    %or3A_315 = arith.ori %shift_left3A_311, %shift_right_logical3A_314 : vector<16xi32>
    %xor3A_316 = arith.xori %or3A_315, %add3A_308 : vector<16xi32>
    %add3A_317 = arith.addi %add3A_308, %xor3A_316 : vector<16xi32>
    %shift_left3A_318 = arith.constant 15 : i32
    %shift_left3A_319 = vector.broadcast %shift_left3A_318 : i32 to vector<16xi32>
    %shift_left3A_320 = arith.shli %xor3A_316, %shift_left3A_319 : vector<16xi32>
    %shift_right_logical3A_321 = arith.constant 17 : i32
    %shift_right_logical3A_322 = vector.broadcast %shift_right_logical3A_321 : i32 to vector<16xi32>
    %shift_right_logical3A_323 = arith.shrui %xor3A_316, %shift_right_logical3A_322 : vector<16xi32>
    %or3A_324 = arith.ori %shift_left3A_320, %shift_right_logical3A_323 : vector<16xi32>
    %xor3A_325 = arith.xori %or3A_324, %add3A_317 : vector<16xi32>
    %add3A_326 = arith.addi %add3A_317, %xor3A_325 : vector<16xi32>
    %shift_left3A_327 = arith.constant 26 : i32
    %shift_left3A_328 = vector.broadcast %shift_left3A_327 : i32 to vector<16xi32>
    %shift_left3A_329 = arith.shli %xor3A_325, %shift_left3A_328 : vector<16xi32>
    %shift_right_logical3A_330 = arith.constant 6 : i32
    %shift_right_logical3A_331 = vector.broadcast %shift_right_logical3A_330 : i32 to vector<16xi32>
    %shift_right_logical3A_332 = arith.shrui %xor3A_325, %shift_right_logical3A_331 : vector<16xi32>
    %or3A_333 = arith.ori %shift_left3A_329, %shift_right_logical3A_332 : vector<16xi32>
    %xor3A_334 = arith.xori %or3A_333, %add3A_326 : vector<16xi32>
    %add3A_335 = arith.addi %add3A_326, %xor3A_334 : vector<16xi32>
    %shift_left3A_336 = arith.constant 6 : i32
    %shift_left3A_337 = vector.broadcast %shift_left3A_336 : i32 to vector<16xi32>
    %shift_left3A_338 = arith.shli %xor3A_334, %shift_left3A_337 : vector<16xi32>
    %shift_right_logical3A_339 = arith.constant 26 : i32
    %shift_right_logical3A_340 = vector.broadcast %shift_right_logical3A_339 : i32 to vector<16xi32>
    %shift_right_logical3A_341 = arith.shrui %xor3A_334, %shift_right_logical3A_340 : vector<16xi32>
    %or3A_342 = arith.ori %shift_left3A_338, %shift_right_logical3A_341 : vector<16xi32>
    %xor3A_343 = arith.xori %or3A_342, %add3A_335 : vector<16xi32>
    %add3A_344 = arith.addi %add3A_335, %gather3A_6 : vector<16xi32>
    %add3A_345 = arith.addi %xor3A_343, %gather3A_10 : vector<16xi32>
    %add3A_346 = arith.constant 3 : i32
    %add3A_347 = vector.broadcast %add3A_346 : i32 to vector<16xi32>
    %add3A_348 = arith.addi %add3A_345, %add3A_347 : vector<16xi32>
    %add3A_349 = arith.addi %add3A_344, %add3A_348 : vector<16xi32>
    %shift_left3A_350 = arith.constant 17 : i32
    %shift_left3A_351 = vector.broadcast %shift_left3A_350 : i32 to vector<16xi32>
    %shift_left3A_352 = arith.shli %add3A_348, %shift_left3A_351 : vector<16xi32>
    %shift_right_logical3A_353 = arith.constant 15 : i32
    %shift_right_logical3A_354 = vector.broadcast %shift_right_logical3A_353 : i32 to vector<16xi32>
    %shift_right_logical3A_355 = arith.shrui %add3A_348, %shift_right_logical3A_354 : vector<16xi32>
    %or3A_356 = arith.ori %shift_left3A_352, %shift_right_logical3A_355 : vector<16xi32>
    %xor3A_357 = arith.xori %or3A_356, %add3A_349 : vector<16xi32>
    %add3A_358 = arith.addi %add3A_349, %xor3A_357 : vector<16xi32>
    %shift_left3A_359 = arith.constant 29 : i32
    %shift_left3A_360 = vector.broadcast %shift_left3A_359 : i32 to vector<16xi32>
    %shift_left3A_361 = arith.shli %xor3A_357, %shift_left3A_360 : vector<16xi32>
    %shift_right_logical3A_362 = arith.constant 3 : i32
    %shift_right_logical3A_363 = vector.broadcast %shift_right_logical3A_362 : i32 to vector<16xi32>
    %shift_right_logical3A_364 = arith.shrui %xor3A_357, %shift_right_logical3A_363 : vector<16xi32>
    %or3A_365 = arith.ori %shift_left3A_361, %shift_right_logical3A_364 : vector<16xi32>
    %xor3A_366 = arith.xori %or3A_365, %add3A_358 : vector<16xi32>
    %add3A_367 = arith.addi %add3A_358, %xor3A_366 : vector<16xi32>
    %shift_left3A_368 = arith.constant 16 : i32
    %shift_left3A_369 = vector.broadcast %shift_left3A_368 : i32 to vector<16xi32>
    %shift_left3A_370 = arith.shli %xor3A_366, %shift_left3A_369 : vector<16xi32>
    %shift_right_logical3A_371 = arith.constant 16 : i32
    %shift_right_logical3A_372 = vector.broadcast %shift_right_logical3A_371 : i32 to vector<16xi32>
    %shift_right_logical3A_373 = arith.shrui %xor3A_366, %shift_right_logical3A_372 : vector<16xi32>
    %or3A_374 = arith.ori %shift_left3A_370, %shift_right_logical3A_373 : vector<16xi32>
    %xor3A_375 = arith.xori %or3A_374, %add3A_367 : vector<16xi32>
    %add3A_376 = arith.addi %add3A_367, %xor3A_375 : vector<16xi32>
    %shift_left3A_377 = arith.constant 24 : i32
    %shift_left3A_378 = vector.broadcast %shift_left3A_377 : i32 to vector<16xi32>
    %shift_left3A_379 = arith.shli %xor3A_375, %shift_left3A_378 : vector<16xi32>
    %shift_right_logical3A_380 = arith.constant 8 : i32
    %shift_right_logical3A_381 = vector.broadcast %shift_right_logical3A_380 : i32 to vector<16xi32>
    %shift_right_logical3A_382 = arith.shrui %xor3A_375, %shift_right_logical3A_381 : vector<16xi32>
    %or3A_383 = arith.ori %shift_left3A_379, %shift_right_logical3A_382 : vector<16xi32>
    %xor3A_384 = arith.xori %or3A_383, %add3A_376 : vector<16xi32>
    %add3A_385 = arith.addi %add3A_376, %gather3A_10 : vector<16xi32>
    %add3A_386 = arith.addi %xor3A_384, %xor3A_223 : vector<16xi32>
    %add3A_387 = arith.constant 4 : i32
    %add3A_388 = vector.broadcast %add3A_387 : i32 to vector<16xi32>
    %add3A_389 = arith.addi %add3A_386, %add3A_388 : vector<16xi32>
    %add3A_390 = arith.addi %add3A_385, %add3A_389 : vector<16xi32>
    %shift_left3A_391 = arith.constant 13 : i32
    %shift_left3A_392 = vector.broadcast %shift_left3A_391 : i32 to vector<16xi32>
    %shift_left3A_393 = arith.shli %add3A_389, %shift_left3A_392 : vector<16xi32>
    %shift_right_logical3A_394 = arith.constant 19 : i32
    %shift_right_logical3A_395 = vector.broadcast %shift_right_logical3A_394 : i32 to vector<16xi32>
    %shift_right_logical3A_396 = arith.shrui %add3A_389, %shift_right_logical3A_395 : vector<16xi32>
    %or3A_397 = arith.ori %shift_left3A_393, %shift_right_logical3A_396 : vector<16xi32>
    %xor3A_398 = arith.xori %or3A_397, %add3A_390 : vector<16xi32>
    %add3A_399 = arith.addi %add3A_390, %xor3A_398 : vector<16xi32>
    %shift_left3A_400 = arith.constant 15 : i32
    %shift_left3A_401 = vector.broadcast %shift_left3A_400 : i32 to vector<16xi32>
    %shift_left3A_402 = arith.shli %xor3A_398, %shift_left3A_401 : vector<16xi32>
    %shift_right_logical3A_403 = arith.constant 17 : i32
    %shift_right_logical3A_404 = vector.broadcast %shift_right_logical3A_403 : i32 to vector<16xi32>
    %shift_right_logical3A_405 = arith.shrui %xor3A_398, %shift_right_logical3A_404 : vector<16xi32>
    %or3A_406 = arith.ori %shift_left3A_402, %shift_right_logical3A_405 : vector<16xi32>
    %xor3A_407 = arith.xori %or3A_406, %add3A_399 : vector<16xi32>
    %add3A_408 = arith.addi %add3A_399, %xor3A_407 : vector<16xi32>
    %shift_left3A_409 = arith.constant 26 : i32
    %shift_left3A_410 = vector.broadcast %shift_left3A_409 : i32 to vector<16xi32>
    %shift_left3A_411 = arith.shli %xor3A_407, %shift_left3A_410 : vector<16xi32>
    %shift_right_logical3A_412 = arith.constant 6 : i32
    %shift_right_logical3A_413 = vector.broadcast %shift_right_logical3A_412 : i32 to vector<16xi32>
    %shift_right_logical3A_414 = arith.shrui %xor3A_407, %shift_right_logical3A_413 : vector<16xi32>
    %or3A_415 = arith.ori %shift_left3A_411, %shift_right_logical3A_414 : vector<16xi32>
    %xor3A_416 = arith.xori %or3A_415, %add3A_408 : vector<16xi32>
    %add3A_417 = arith.addi %add3A_408, %xor3A_416 : vector<16xi32>
    %shift_left3A_418 = arith.constant 6 : i32
    %shift_left3A_419 = vector.broadcast %shift_left3A_418 : i32 to vector<16xi32>
    %shift_left3A_420 = arith.shli %xor3A_416, %shift_left3A_419 : vector<16xi32>
    %shift_right_logical3A_421 = arith.constant 26 : i32
    %shift_right_logical3A_422 = vector.broadcast %shift_right_logical3A_421 : i32 to vector<16xi32>
    %shift_right_logical3A_423 = arith.shrui %xor3A_416, %shift_right_logical3A_422 : vector<16xi32>
    %or3A_424 = arith.ori %shift_left3A_420, %shift_right_logical3A_423 : vector<16xi32>
    %xor3A_425 = arith.xori %or3A_424, %add3A_417 : vector<16xi32>
    %add3A_426 = arith.addi %add3A_417, %xor3A_223 : vector<16xi32>
    %add3A_427 = arith.addi %xor3A_425, %gather3A_6 : vector<16xi32>
    %add3A_428 = arith.constant 5 : i32
    %add3A_429 = vector.broadcast %add3A_428 : i32 to vector<16xi32>
    %add3A_430 = arith.addi %add3A_427, %add3A_429 : vector<16xi32>
    %xor3A_431 = arith.xori %add3A_215, %add3A_219 : vector<16xi32>
    %xor3A_432 = arith.constant 466688986 : i32
    %xor3A_433 = vector.broadcast %xor3A_432 : i32 to vector<16xi32>
    %xor3A_434 = arith.xori %xor3A_431, %xor3A_433 : vector<16xi32>
    %add3A_435 = arith.addi %broadcast_in_dim3A_1, %add3A_215 : vector<16xi32>
    %add3A_436 = arith.addi %broadcast_in_dim3A_12, %add3A_219 : vector<16xi32>
    %add3A_437 = arith.addi %add3A_435, %add3A_436 : vector<16xi32>
    %shift_left3A_438 = arith.constant 13 : i32
    %shift_left3A_439 = vector.broadcast %shift_left3A_438 : i32 to vector<16xi32>
    %shift_left3A_440 = arith.shli %add3A_436, %shift_left3A_439 : vector<16xi32>
    %shift_right_logical3A_441 = arith.constant 19 : i32
    %shift_right_logical3A_442 = vector.broadcast %shift_right_logical3A_441 : i32 to vector<16xi32>
    %shift_right_logical3A_443 = arith.shrui %add3A_436, %shift_right_logical3A_442 : vector<16xi32>
    %or3A_444 = arith.ori %shift_left3A_440, %shift_right_logical3A_443 : vector<16xi32>
    %xor3A_445 = arith.xori %or3A_444, %add3A_437 : vector<16xi32>
    %add3A_446 = arith.addi %add3A_437, %xor3A_445 : vector<16xi32>
    %shift_left3A_447 = arith.constant 15 : i32
    %shift_left3A_448 = vector.broadcast %shift_left3A_447 : i32 to vector<16xi32>
    %shift_left3A_449 = arith.shli %xor3A_445, %shift_left3A_448 : vector<16xi32>
    %shift_right_logical3A_450 = arith.constant 17 : i32
    %shift_right_logical3A_451 = vector.broadcast %shift_right_logical3A_450 : i32 to vector<16xi32>
    %shift_right_logical3A_452 = arith.shrui %xor3A_445, %shift_right_logical3A_451 : vector<16xi32>
    %or3A_453 = arith.ori %shift_left3A_449, %shift_right_logical3A_452 : vector<16xi32>
    %xor3A_454 = arith.xori %or3A_453, %add3A_446 : vector<16xi32>
    %add3A_455 = arith.addi %add3A_446, %xor3A_454 : vector<16xi32>
    %shift_left3A_456 = arith.constant 26 : i32
    %shift_left3A_457 = vector.broadcast %shift_left3A_456 : i32 to vector<16xi32>
    %shift_left3A_458 = arith.shli %xor3A_454, %shift_left3A_457 : vector<16xi32>
    %shift_right_logical3A_459 = arith.constant 6 : i32
    %shift_right_logical3A_460 = vector.broadcast %shift_right_logical3A_459 : i32 to vector<16xi32>
    %shift_right_logical3A_461 = arith.shrui %xor3A_454, %shift_right_logical3A_460 : vector<16xi32>
    %or3A_462 = arith.ori %shift_left3A_458, %shift_right_logical3A_461 : vector<16xi32>
    %xor3A_463 = arith.xori %or3A_462, %add3A_455 : vector<16xi32>
    %add3A_464 = arith.addi %add3A_455, %xor3A_463 : vector<16xi32>
    %shift_left3A_465 = arith.constant 6 : i32
    %shift_left3A_466 = vector.broadcast %shift_left3A_465 : i32 to vector<16xi32>
    %shift_left3A_467 = arith.shli %xor3A_463, %shift_left3A_466 : vector<16xi32>
    %shift_right_logical3A_468 = arith.constant 26 : i32
    %shift_right_logical3A_469 = vector.broadcast %shift_right_logical3A_468 : i32 to vector<16xi32>
    %shift_right_logical3A_470 = arith.shrui %xor3A_463, %shift_right_logical3A_469 : vector<16xi32>
    %or3A_471 = arith.ori %shift_left3A_467, %shift_right_logical3A_470 : vector<16xi32>
    %xor3A_472 = arith.xori %or3A_471, %add3A_464 : vector<16xi32>
    %add3A_473 = arith.addi %add3A_464, %add3A_219 : vector<16xi32>
    %add3A_474 = arith.addi %xor3A_472, %xor3A_434 : vector<16xi32>
    %add3A_475 = arith.constant 1 : i32
    %add3A_476 = vector.broadcast %add3A_475 : i32 to vector<16xi32>
    %add3A_477 = arith.addi %add3A_474, %add3A_476 : vector<16xi32>
    %add3A_478 = arith.addi %add3A_473, %add3A_477 : vector<16xi32>
    %shift_left3A_479 = arith.constant 17 : i32
    %shift_left3A_480 = vector.broadcast %shift_left3A_479 : i32 to vector<16xi32>
    %shift_left3A_481 = arith.shli %add3A_477, %shift_left3A_480 : vector<16xi32>
    %shift_right_logical3A_482 = arith.constant 15 : i32
    %shift_right_logical3A_483 = vector.broadcast %shift_right_logical3A_482 : i32 to vector<16xi32>
    %shift_right_logical3A_484 = arith.shrui %add3A_477, %shift_right_logical3A_483 : vector<16xi32>
    %or3A_485 = arith.ori %shift_left3A_481, %shift_right_logical3A_484 : vector<16xi32>
    %xor3A_486 = arith.xori %or3A_485, %add3A_478 : vector<16xi32>
    %add3A_487 = arith.addi %add3A_478, %xor3A_486 : vector<16xi32>
    %shift_left3A_488 = arith.constant 29 : i32
    %shift_left3A_489 = vector.broadcast %shift_left3A_488 : i32 to vector<16xi32>
    %shift_left3A_490 = arith.shli %xor3A_486, %shift_left3A_489 : vector<16xi32>
    %shift_right_logical3A_491 = arith.constant 3 : i32
    %shift_right_logical3A_492 = vector.broadcast %shift_right_logical3A_491 : i32 to vector<16xi32>
    %shift_right_logical3A_493 = arith.shrui %xor3A_486, %shift_right_logical3A_492 : vector<16xi32>
    %or3A_494 = arith.ori %shift_left3A_490, %shift_right_logical3A_493 : vector<16xi32>
    %xor3A_495 = arith.xori %or3A_494, %add3A_487 : vector<16xi32>
    %add3A_496 = arith.addi %add3A_487, %xor3A_495 : vector<16xi32>
    %shift_left3A_497 = arith.constant 16 : i32
    %shift_left3A_498 = vector.broadcast %shift_left3A_497 : i32 to vector<16xi32>
    %shift_left3A_499 = arith.shli %xor3A_495, %shift_left3A_498 : vector<16xi32>
    %shift_right_logical3A_500 = arith.constant 16 : i32
    %shift_right_logical3A_501 = vector.broadcast %shift_right_logical3A_500 : i32 to vector<16xi32>
    %shift_right_logical3A_502 = arith.shrui %xor3A_495, %shift_right_logical3A_501 : vector<16xi32>
    %or3A_503 = arith.ori %shift_left3A_499, %shift_right_logical3A_502 : vector<16xi32>
    %xor3A_504 = arith.xori %or3A_503, %add3A_496 : vector<16xi32>
    %add3A_505 = arith.addi %add3A_496, %xor3A_504 : vector<16xi32>
    %shift_left3A_506 = arith.constant 24 : i32
    %shift_left3A_507 = vector.broadcast %shift_left3A_506 : i32 to vector<16xi32>
    %shift_left3A_508 = arith.shli %xor3A_504, %shift_left3A_507 : vector<16xi32>
    %shift_right_logical3A_509 = arith.constant 8 : i32
    %shift_right_logical3A_510 = vector.broadcast %shift_right_logical3A_509 : i32 to vector<16xi32>
    %shift_right_logical3A_511 = arith.shrui %xor3A_504, %shift_right_logical3A_510 : vector<16xi32>
    %or3A_512 = arith.ori %shift_left3A_508, %shift_right_logical3A_511 : vector<16xi32>
    %xor3A_513 = arith.xori %or3A_512, %add3A_505 : vector<16xi32>
    %add3A_514 = arith.addi %add3A_505, %xor3A_434 : vector<16xi32>
    %add3A_515 = arith.addi %xor3A_513, %add3A_215 : vector<16xi32>
    %add3A_516 = arith.constant 2 : i32
    %add3A_517 = vector.broadcast %add3A_516 : i32 to vector<16xi32>
    %add3A_518 = arith.addi %add3A_515, %add3A_517 : vector<16xi32>
    %add3A_519 = arith.addi %add3A_514, %add3A_518 : vector<16xi32>
    %shift_left3A_520 = arith.constant 13 : i32
    %shift_left3A_521 = vector.broadcast %shift_left3A_520 : i32 to vector<16xi32>
    %shift_left3A_522 = arith.shli %add3A_518, %shift_left3A_521 : vector<16xi32>
    %shift_right_logical3A_523 = arith.constant 19 : i32
    %shift_right_logical3A_524 = vector.broadcast %shift_right_logical3A_523 : i32 to vector<16xi32>
    %shift_right_logical3A_525 = arith.shrui %add3A_518, %shift_right_logical3A_524 : vector<16xi32>
    %or3A_526 = arith.ori %shift_left3A_522, %shift_right_logical3A_525 : vector<16xi32>
    %xor3A_527 = arith.xori %or3A_526, %add3A_519 : vector<16xi32>
    %add3A_528 = arith.addi %add3A_519, %xor3A_527 : vector<16xi32>
    %shift_left3A_529 = arith.constant 15 : i32
    %shift_left3A_530 = vector.broadcast %shift_left3A_529 : i32 to vector<16xi32>
    %shift_left3A_531 = arith.shli %xor3A_527, %shift_left3A_530 : vector<16xi32>
    %shift_right_logical3A_532 = arith.constant 17 : i32
    %shift_right_logical3A_533 = vector.broadcast %shift_right_logical3A_532 : i32 to vector<16xi32>
    %shift_right_logical3A_534 = arith.shrui %xor3A_527, %shift_right_logical3A_533 : vector<16xi32>
    %or3A_535 = arith.ori %shift_left3A_531, %shift_right_logical3A_534 : vector<16xi32>
    %xor3A_536 = arith.xori %or3A_535, %add3A_528 : vector<16xi32>
    %add3A_537 = arith.addi %add3A_528, %xor3A_536 : vector<16xi32>
    %shift_left3A_538 = arith.constant 26 : i32
    %shift_left3A_539 = vector.broadcast %shift_left3A_538 : i32 to vector<16xi32>
    %shift_left3A_540 = arith.shli %xor3A_536, %shift_left3A_539 : vector<16xi32>
    %shift_right_logical3A_541 = arith.constant 6 : i32
    %shift_right_logical3A_542 = vector.broadcast %shift_right_logical3A_541 : i32 to vector<16xi32>
    %shift_right_logical3A_543 = arith.shrui %xor3A_536, %shift_right_logical3A_542 : vector<16xi32>
    %or3A_544 = arith.ori %shift_left3A_540, %shift_right_logical3A_543 : vector<16xi32>
    %xor3A_545 = arith.xori %or3A_544, %add3A_537 : vector<16xi32>
    %add3A_546 = arith.addi %add3A_537, %xor3A_545 : vector<16xi32>
    %shift_left3A_547 = arith.constant 6 : i32
    %shift_left3A_548 = vector.broadcast %shift_left3A_547 : i32 to vector<16xi32>
    %shift_left3A_549 = arith.shli %xor3A_545, %shift_left3A_548 : vector<16xi32>
    %shift_right_logical3A_550 = arith.constant 26 : i32
    %shift_right_logical3A_551 = vector.broadcast %shift_right_logical3A_550 : i32 to vector<16xi32>
    %shift_right_logical3A_552 = arith.shrui %xor3A_545, %shift_right_logical3A_551 : vector<16xi32>
    %or3A_553 = arith.ori %shift_left3A_549, %shift_right_logical3A_552 : vector<16xi32>
    %xor3A_554 = arith.xori %or3A_553, %add3A_546 : vector<16xi32>
    %add3A_555 = arith.addi %add3A_546, %add3A_215 : vector<16xi32>
    %add3A_556 = arith.addi %xor3A_554, %add3A_219 : vector<16xi32>
    %add3A_557 = arith.constant 3 : i32
    %add3A_558 = vector.broadcast %add3A_557 : i32 to vector<16xi32>
    %add3A_559 = arith.addi %add3A_556, %add3A_558 : vector<16xi32>
    %add3A_560 = arith.addi %add3A_555, %add3A_559 : vector<16xi32>
    %shift_left3A_561 = arith.constant 17 : i32
    %shift_left3A_562 = vector.broadcast %shift_left3A_561 : i32 to vector<16xi32>
    %shift_left3A_563 = arith.shli %add3A_559, %shift_left3A_562 : vector<16xi32>
    %shift_right_logical3A_564 = arith.constant 15 : i32
    %shift_right_logical3A_565 = vector.broadcast %shift_right_logical3A_564 : i32 to vector<16xi32>
    %shift_right_logical3A_566 = arith.shrui %add3A_559, %shift_right_logical3A_565 : vector<16xi32>
    %or3A_567 = arith.ori %shift_left3A_563, %shift_right_logical3A_566 : vector<16xi32>
    %xor3A_568 = arith.xori %or3A_567, %add3A_560 : vector<16xi32>
    %add3A_569 = arith.addi %add3A_560, %xor3A_568 : vector<16xi32>
    %shift_left3A_570 = arith.constant 29 : i32
    %shift_left3A_571 = vector.broadcast %shift_left3A_570 : i32 to vector<16xi32>
    %shift_left3A_572 = arith.shli %xor3A_568, %shift_left3A_571 : vector<16xi32>
    %shift_right_logical3A_573 = arith.constant 3 : i32
    %shift_right_logical3A_574 = vector.broadcast %shift_right_logical3A_573 : i32 to vector<16xi32>
    %shift_right_logical3A_575 = arith.shrui %xor3A_568, %shift_right_logical3A_574 : vector<16xi32>
    %or3A_576 = arith.ori %shift_left3A_572, %shift_right_logical3A_575 : vector<16xi32>
    %xor3A_577 = arith.xori %or3A_576, %add3A_569 : vector<16xi32>
    %add3A_578 = arith.addi %add3A_569, %xor3A_577 : vector<16xi32>
    %shift_left3A_579 = arith.constant 16 : i32
    %shift_left3A_580 = vector.broadcast %shift_left3A_579 : i32 to vector<16xi32>
    %shift_left3A_581 = arith.shli %xor3A_577, %shift_left3A_580 : vector<16xi32>
    %shift_right_logical3A_582 = arith.constant 16 : i32
    %shift_right_logical3A_583 = vector.broadcast %shift_right_logical3A_582 : i32 to vector<16xi32>
    %shift_right_logical3A_584 = arith.shrui %xor3A_577, %shift_right_logical3A_583 : vector<16xi32>
    %or3A_585 = arith.ori %shift_left3A_581, %shift_right_logical3A_584 : vector<16xi32>
    %xor3A_586 = arith.xori %or3A_585, %add3A_578 : vector<16xi32>
    %add3A_587 = arith.addi %add3A_578, %xor3A_586 : vector<16xi32>
    %shift_left3A_588 = arith.constant 24 : i32
    %shift_left3A_589 = vector.broadcast %shift_left3A_588 : i32 to vector<16xi32>
    %shift_left3A_590 = arith.shli %xor3A_586, %shift_left3A_589 : vector<16xi32>
    %shift_right_logical3A_591 = arith.constant 8 : i32
    %shift_right_logical3A_592 = vector.broadcast %shift_right_logical3A_591 : i32 to vector<16xi32>
    %shift_right_logical3A_593 = arith.shrui %xor3A_586, %shift_right_logical3A_592 : vector<16xi32>
    %or3A_594 = arith.ori %shift_left3A_590, %shift_right_logical3A_593 : vector<16xi32>
    %xor3A_595 = arith.xori %or3A_594, %add3A_587 : vector<16xi32>
    %add3A_596 = arith.addi %add3A_587, %add3A_219 : vector<16xi32>
    %add3A_597 = arith.addi %xor3A_595, %xor3A_434 : vector<16xi32>
    %add3A_598 = arith.constant 4 : i32
    %add3A_599 = vector.broadcast %add3A_598 : i32 to vector<16xi32>
    %add3A_600 = arith.addi %add3A_597, %add3A_599 : vector<16xi32>
    %add3A_601 = arith.addi %add3A_596, %add3A_600 : vector<16xi32>
    %shift_left3A_602 = arith.constant 13 : i32
    %shift_left3A_603 = vector.broadcast %shift_left3A_602 : i32 to vector<16xi32>
    %shift_left3A_604 = arith.shli %add3A_600, %shift_left3A_603 : vector<16xi32>
    %shift_right_logical3A_605 = arith.constant 19 : i32
    %shift_right_logical3A_606 = vector.broadcast %shift_right_logical3A_605 : i32 to vector<16xi32>
    %shift_right_logical3A_607 = arith.shrui %add3A_600, %shift_right_logical3A_606 : vector<16xi32>
    %or3A_608 = arith.ori %shift_left3A_604, %shift_right_logical3A_607 : vector<16xi32>
    %xor3A_609 = arith.xori %or3A_608, %add3A_601 : vector<16xi32>
    %add3A_610 = arith.addi %add3A_601, %xor3A_609 : vector<16xi32>
    %shift_left3A_611 = arith.constant 15 : i32
    %shift_left3A_612 = vector.broadcast %shift_left3A_611 : i32 to vector<16xi32>
    %shift_left3A_613 = arith.shli %xor3A_609, %shift_left3A_612 : vector<16xi32>
    %shift_right_logical3A_614 = arith.constant 17 : i32
    %shift_right_logical3A_615 = vector.broadcast %shift_right_logical3A_614 : i32 to vector<16xi32>
    %shift_right_logical3A_616 = arith.shrui %xor3A_609, %shift_right_logical3A_615 : vector<16xi32>
    %or3A_617 = arith.ori %shift_left3A_613, %shift_right_logical3A_616 : vector<16xi32>
    %xor3A_618 = arith.xori %or3A_617, %add3A_610 : vector<16xi32>
    %add3A_619 = arith.addi %add3A_610, %xor3A_618 : vector<16xi32>
    %shift_left3A_620 = arith.constant 26 : i32
    %shift_left3A_621 = vector.broadcast %shift_left3A_620 : i32 to vector<16xi32>
    %shift_left3A_622 = arith.shli %xor3A_618, %shift_left3A_621 : vector<16xi32>
    %shift_right_logical3A_623 = arith.constant 6 : i32
    %shift_right_logical3A_624 = vector.broadcast %shift_right_logical3A_623 : i32 to vector<16xi32>
    %shift_right_logical3A_625 = arith.shrui %xor3A_618, %shift_right_logical3A_624 : vector<16xi32>
    %or3A_626 = arith.ori %shift_left3A_622, %shift_right_logical3A_625 : vector<16xi32>
    %xor3A_627 = arith.xori %or3A_626, %add3A_619 : vector<16xi32>
    %add3A_628 = arith.addi %add3A_619, %xor3A_627 : vector<16xi32>
    %shift_left3A_629 = arith.constant 6 : i32
    %shift_left3A_630 = vector.broadcast %shift_left3A_629 : i32 to vector<16xi32>
    %shift_left3A_631 = arith.shli %xor3A_627, %shift_left3A_630 : vector<16xi32>
    %shift_right_logical3A_632 = arith.constant 26 : i32
    %shift_right_logical3A_633 = vector.broadcast %shift_right_logical3A_632 : i32 to vector<16xi32>
    %shift_right_logical3A_634 = arith.shrui %xor3A_627, %shift_right_logical3A_633 : vector<16xi32>
    %or3A_635 = arith.ori %shift_left3A_631, %shift_right_logical3A_634 : vector<16xi32>
    %xor3A_636 = arith.xori %or3A_635, %add3A_628 : vector<16xi32>
    %add3A_637 = arith.addi %add3A_628, %xor3A_434 : vector<16xi32>
    %add3A_638 = arith.addi %xor3A_636, %add3A_215 : vector<16xi32>
    %add3A_639 = arith.constant 5 : i32
    %add3A_640 = vector.broadcast %add3A_639 : i32 to vector<16xi32>
    %add3A_641 = arith.addi %add3A_638, %add3A_640 : vector<16xi32>
    %xor3A_642 = arith.xori %add3A_637, %add3A_641 : vector<16xi32>
    %xor3A_643 = arith.constant 466688986 : i32
    %xor3A_644 = vector.broadcast %xor3A_643 : i32 to vector<16xi32>
    %xor3A_645 = arith.xori %xor3A_642, %xor3A_644 : vector<16xi32>
    %add3A_646 = arith.addi %broadcast_in_dim3A_1, %add3A_637 : vector<16xi32>
    %add3A_647 = arith.addi %broadcast_in_dim3A_12, %add3A_641 : vector<16xi32>
    %add3A_648 = arith.addi %add3A_646, %add3A_647 : vector<16xi32>
    %shift_left3A_649 = arith.constant 13 : i32
    %shift_left3A_650 = vector.broadcast %shift_left3A_649 : i32 to vector<16xi32>
    %shift_left3A_651 = arith.shli %add3A_647, %shift_left3A_650 : vector<16xi32>
    %shift_right_logical3A_652 = arith.constant 19 : i32
    %shift_right_logical3A_653 = vector.broadcast %shift_right_logical3A_652 : i32 to vector<16xi32>
    %shift_right_logical3A_654 = arith.shrui %add3A_647, %shift_right_logical3A_653 : vector<16xi32>
    %or3A_655 = arith.ori %shift_left3A_651, %shift_right_logical3A_654 : vector<16xi32>
    %xor3A_656 = arith.xori %or3A_655, %add3A_648 : vector<16xi32>
    %add3A_657 = arith.addi %add3A_648, %xor3A_656 : vector<16xi32>
    %shift_left3A_658 = arith.constant 15 : i32
    %shift_left3A_659 = vector.broadcast %shift_left3A_658 : i32 to vector<16xi32>
    %shift_left3A_660 = arith.shli %xor3A_656, %shift_left3A_659 : vector<16xi32>
    %shift_right_logical3A_661 = arith.constant 17 : i32
    %shift_right_logical3A_662 = vector.broadcast %shift_right_logical3A_661 : i32 to vector<16xi32>
    %shift_right_logical3A_663 = arith.shrui %xor3A_656, %shift_right_logical3A_662 : vector<16xi32>
    %or3A_664 = arith.ori %shift_left3A_660, %shift_right_logical3A_663 : vector<16xi32>
    %xor3A_665 = arith.xori %or3A_664, %add3A_657 : vector<16xi32>
    %add3A_666 = arith.addi %add3A_657, %xor3A_665 : vector<16xi32>
    %shift_left3A_667 = arith.constant 26 : i32
    %shift_left3A_668 = vector.broadcast %shift_left3A_667 : i32 to vector<16xi32>
    %shift_left3A_669 = arith.shli %xor3A_665, %shift_left3A_668 : vector<16xi32>
    %shift_right_logical3A_670 = arith.constant 6 : i32
    %shift_right_logical3A_671 = vector.broadcast %shift_right_logical3A_670 : i32 to vector<16xi32>
    %shift_right_logical3A_672 = arith.shrui %xor3A_665, %shift_right_logical3A_671 : vector<16xi32>
    %or3A_673 = arith.ori %shift_left3A_669, %shift_right_logical3A_672 : vector<16xi32>
    %xor3A_674 = arith.xori %or3A_673, %add3A_666 : vector<16xi32>
    %add3A_675 = arith.addi %add3A_666, %xor3A_674 : vector<16xi32>
    %shift_left3A_676 = arith.constant 6 : i32
    %shift_left3A_677 = vector.broadcast %shift_left3A_676 : i32 to vector<16xi32>
    %shift_left3A_678 = arith.shli %xor3A_674, %shift_left3A_677 : vector<16xi32>
    %shift_right_logical3A_679 = arith.constant 26 : i32
    %shift_right_logical3A_680 = vector.broadcast %shift_right_logical3A_679 : i32 to vector<16xi32>
    %shift_right_logical3A_681 = arith.shrui %xor3A_674, %shift_right_logical3A_680 : vector<16xi32>
    %or3A_682 = arith.ori %shift_left3A_678, %shift_right_logical3A_681 : vector<16xi32>
    %xor3A_683 = arith.xori %or3A_682, %add3A_675 : vector<16xi32>
    %add3A_684 = arith.addi %add3A_675, %add3A_641 : vector<16xi32>
    %add3A_685 = arith.addi %xor3A_683, %xor3A_645 : vector<16xi32>
    %add3A_686 = arith.constant 1 : i32
    %add3A_687 = vector.broadcast %add3A_686 : i32 to vector<16xi32>
    %add3A_688 = arith.addi %add3A_685, %add3A_687 : vector<16xi32>
    %add3A_689 = arith.addi %add3A_684, %add3A_688 : vector<16xi32>
    %shift_left3A_690 = arith.constant 17 : i32
    %shift_left3A_691 = vector.broadcast %shift_left3A_690 : i32 to vector<16xi32>
    %shift_left3A_692 = arith.shli %add3A_688, %shift_left3A_691 : vector<16xi32>
    %shift_right_logical3A_693 = arith.constant 15 : i32
    %shift_right_logical3A_694 = vector.broadcast %shift_right_logical3A_693 : i32 to vector<16xi32>
    %shift_right_logical3A_695 = arith.shrui %add3A_688, %shift_right_logical3A_694 : vector<16xi32>
    %or3A_696 = arith.ori %shift_left3A_692, %shift_right_logical3A_695 : vector<16xi32>
    %xor3A_697 = arith.xori %or3A_696, %add3A_689 : vector<16xi32>
    %add3A_698 = arith.addi %add3A_689, %xor3A_697 : vector<16xi32>
    %shift_left3A_699 = arith.constant 29 : i32
    %shift_left3A_700 = vector.broadcast %shift_left3A_699 : i32 to vector<16xi32>
    %shift_left3A_701 = arith.shli %xor3A_697, %shift_left3A_700 : vector<16xi32>
    %shift_right_logical3A_702 = arith.constant 3 : i32
    %shift_right_logical3A_703 = vector.broadcast %shift_right_logical3A_702 : i32 to vector<16xi32>
    %shift_right_logical3A_704 = arith.shrui %xor3A_697, %shift_right_logical3A_703 : vector<16xi32>
    %or3A_705 = arith.ori %shift_left3A_701, %shift_right_logical3A_704 : vector<16xi32>
    %xor3A_706 = arith.xori %or3A_705, %add3A_698 : vector<16xi32>
    %add3A_707 = arith.addi %add3A_698, %xor3A_706 : vector<16xi32>
    %shift_left3A_708 = arith.constant 16 : i32
    %shift_left3A_709 = vector.broadcast %shift_left3A_708 : i32 to vector<16xi32>
    %shift_left3A_710 = arith.shli %xor3A_706, %shift_left3A_709 : vector<16xi32>
    %shift_right_logical3A_711 = arith.constant 16 : i32
    %shift_right_logical3A_712 = vector.broadcast %shift_right_logical3A_711 : i32 to vector<16xi32>
    %shift_right_logical3A_713 = arith.shrui %xor3A_706, %shift_right_logical3A_712 : vector<16xi32>
    %or3A_714 = arith.ori %shift_left3A_710, %shift_right_logical3A_713 : vector<16xi32>
    %xor3A_715 = arith.xori %or3A_714, %add3A_707 : vector<16xi32>
    %add3A_716 = arith.addi %add3A_707, %xor3A_715 : vector<16xi32>
    %shift_left3A_717 = arith.constant 24 : i32
    %shift_left3A_718 = vector.broadcast %shift_left3A_717 : i32 to vector<16xi32>
    %shift_left3A_719 = arith.shli %xor3A_715, %shift_left3A_718 : vector<16xi32>
    %shift_right_logical3A_720 = arith.constant 8 : i32
    %shift_right_logical3A_721 = vector.broadcast %shift_right_logical3A_720 : i32 to vector<16xi32>
    %shift_right_logical3A_722 = arith.shrui %xor3A_715, %shift_right_logical3A_721 : vector<16xi32>
    %or3A_723 = arith.ori %shift_left3A_719, %shift_right_logical3A_722 : vector<16xi32>
    %xor3A_724 = arith.xori %or3A_723, %add3A_716 : vector<16xi32>
    %add3A_725 = arith.addi %add3A_716, %xor3A_645 : vector<16xi32>
    %add3A_726 = arith.addi %xor3A_724, %add3A_637 : vector<16xi32>
    %add3A_727 = arith.constant 2 : i32
    %add3A_728 = vector.broadcast %add3A_727 : i32 to vector<16xi32>
    %add3A_729 = arith.addi %add3A_726, %add3A_728 : vector<16xi32>
    %add3A_730 = arith.addi %add3A_725, %add3A_729 : vector<16xi32>
    %shift_left3A_731 = arith.constant 13 : i32
    %shift_left3A_732 = vector.broadcast %shift_left3A_731 : i32 to vector<16xi32>
    %shift_left3A_733 = arith.shli %add3A_729, %shift_left3A_732 : vector<16xi32>
    %shift_right_logical3A_734 = arith.constant 19 : i32
    %shift_right_logical3A_735 = vector.broadcast %shift_right_logical3A_734 : i32 to vector<16xi32>
    %shift_right_logical3A_736 = arith.shrui %add3A_729, %shift_right_logical3A_735 : vector<16xi32>
    %or3A_737 = arith.ori %shift_left3A_733, %shift_right_logical3A_736 : vector<16xi32>
    %xor3A_738 = arith.xori %or3A_737, %add3A_730 : vector<16xi32>
    %add3A_739 = arith.addi %add3A_730, %xor3A_738 : vector<16xi32>
    %shift_left3A_740 = arith.constant 15 : i32
    %shift_left3A_741 = vector.broadcast %shift_left3A_740 : i32 to vector<16xi32>
    %shift_left3A_742 = arith.shli %xor3A_738, %shift_left3A_741 : vector<16xi32>
    %shift_right_logical3A_743 = arith.constant 17 : i32
    %shift_right_logical3A_744 = vector.broadcast %shift_right_logical3A_743 : i32 to vector<16xi32>
    %shift_right_logical3A_745 = arith.shrui %xor3A_738, %shift_right_logical3A_744 : vector<16xi32>
    %or3A_746 = arith.ori %shift_left3A_742, %shift_right_logical3A_745 : vector<16xi32>
    %xor3A_747 = arith.xori %or3A_746, %add3A_739 : vector<16xi32>
    %add3A_748 = arith.addi %add3A_739, %xor3A_747 : vector<16xi32>
    %shift_left3A_749 = arith.constant 26 : i32
    %shift_left3A_750 = vector.broadcast %shift_left3A_749 : i32 to vector<16xi32>
    %shift_left3A_751 = arith.shli %xor3A_747, %shift_left3A_750 : vector<16xi32>
    %shift_right_logical3A_752 = arith.constant 6 : i32
    %shift_right_logical3A_753 = vector.broadcast %shift_right_logical3A_752 : i32 to vector<16xi32>
    %shift_right_logical3A_754 = arith.shrui %xor3A_747, %shift_right_logical3A_753 : vector<16xi32>
    %or3A_755 = arith.ori %shift_left3A_751, %shift_right_logical3A_754 : vector<16xi32>
    %xor3A_756 = arith.xori %or3A_755, %add3A_748 : vector<16xi32>
    %add3A_757 = arith.addi %add3A_748, %xor3A_756 : vector<16xi32>
    %shift_left3A_758 = arith.constant 6 : i32
    %shift_left3A_759 = vector.broadcast %shift_left3A_758 : i32 to vector<16xi32>
    %shift_left3A_760 = arith.shli %xor3A_756, %shift_left3A_759 : vector<16xi32>
    %shift_right_logical3A_761 = arith.constant 26 : i32
    %shift_right_logical3A_762 = vector.broadcast %shift_right_logical3A_761 : i32 to vector<16xi32>
    %shift_right_logical3A_763 = arith.shrui %xor3A_756, %shift_right_logical3A_762 : vector<16xi32>
    %or3A_764 = arith.ori %shift_left3A_760, %shift_right_logical3A_763 : vector<16xi32>
    %xor3A_765 = arith.xori %or3A_764, %add3A_757 : vector<16xi32>
    %add3A_766 = arith.addi %add3A_757, %add3A_637 : vector<16xi32>
    %add3A_767 = arith.addi %xor3A_765, %add3A_641 : vector<16xi32>
    %add3A_768 = arith.constant 3 : i32
    %add3A_769 = vector.broadcast %add3A_768 : i32 to vector<16xi32>
    %add3A_770 = arith.addi %add3A_767, %add3A_769 : vector<16xi32>
    %add3A_771 = arith.addi %add3A_766, %add3A_770 : vector<16xi32>
    %shift_left3A_772 = arith.constant 17 : i32
    %shift_left3A_773 = vector.broadcast %shift_left3A_772 : i32 to vector<16xi32>
    %shift_left3A_774 = arith.shli %add3A_770, %shift_left3A_773 : vector<16xi32>
    %shift_right_logical3A_775 = arith.constant 15 : i32
    %shift_right_logical3A_776 = vector.broadcast %shift_right_logical3A_775 : i32 to vector<16xi32>
    %shift_right_logical3A_777 = arith.shrui %add3A_770, %shift_right_logical3A_776 : vector<16xi32>
    %or3A_778 = arith.ori %shift_left3A_774, %shift_right_logical3A_777 : vector<16xi32>
    %xor3A_779 = arith.xori %or3A_778, %add3A_771 : vector<16xi32>
    %add3A_780 = arith.addi %add3A_771, %xor3A_779 : vector<16xi32>
    %shift_left3A_781 = arith.constant 29 : i32
    %shift_left3A_782 = vector.broadcast %shift_left3A_781 : i32 to vector<16xi32>
    %shift_left3A_783 = arith.shli %xor3A_779, %shift_left3A_782 : vector<16xi32>
    %shift_right_logical3A_784 = arith.constant 3 : i32
    %shift_right_logical3A_785 = vector.broadcast %shift_right_logical3A_784 : i32 to vector<16xi32>
    %shift_right_logical3A_786 = arith.shrui %xor3A_779, %shift_right_logical3A_785 : vector<16xi32>
    %or3A_787 = arith.ori %shift_left3A_783, %shift_right_logical3A_786 : vector<16xi32>
    %xor3A_788 = arith.xori %or3A_787, %add3A_780 : vector<16xi32>
    %add3A_789 = arith.addi %add3A_780, %xor3A_788 : vector<16xi32>
    %shift_left3A_790 = arith.constant 16 : i32
    %shift_left3A_791 = vector.broadcast %shift_left3A_790 : i32 to vector<16xi32>
    %shift_left3A_792 = arith.shli %xor3A_788, %shift_left3A_791 : vector<16xi32>
    %shift_right_logical3A_793 = arith.constant 16 : i32
    %shift_right_logical3A_794 = vector.broadcast %shift_right_logical3A_793 : i32 to vector<16xi32>
    %shift_right_logical3A_795 = arith.shrui %xor3A_788, %shift_right_logical3A_794 : vector<16xi32>
    %or3A_796 = arith.ori %shift_left3A_792, %shift_right_logical3A_795 : vector<16xi32>
    %xor3A_797 = arith.xori %or3A_796, %add3A_789 : vector<16xi32>
    %add3A_798 = arith.addi %add3A_789, %xor3A_797 : vector<16xi32>
    %shift_left3A_799 = arith.constant 24 : i32
    %shift_left3A_800 = vector.broadcast %shift_left3A_799 : i32 to vector<16xi32>
    %shift_left3A_801 = arith.shli %xor3A_797, %shift_left3A_800 : vector<16xi32>
    %shift_right_logical3A_802 = arith.constant 8 : i32
    %shift_right_logical3A_803 = vector.broadcast %shift_right_logical3A_802 : i32 to vector<16xi32>
    %shift_right_logical3A_804 = arith.shrui %xor3A_797, %shift_right_logical3A_803 : vector<16xi32>
    %or3A_805 = arith.ori %shift_left3A_801, %shift_right_logical3A_804 : vector<16xi32>
    %xor3A_806 = arith.xori %or3A_805, %add3A_798 : vector<16xi32>
    %add3A_807 = arith.addi %add3A_798, %add3A_641 : vector<16xi32>
    %add3A_808 = arith.addi %xor3A_806, %xor3A_645 : vector<16xi32>
    %add3A_809 = arith.constant 4 : i32
    %add3A_810 = vector.broadcast %add3A_809 : i32 to vector<16xi32>
    %add3A_811 = arith.addi %add3A_808, %add3A_810 : vector<16xi32>
    %add3A_812 = arith.addi %add3A_807, %add3A_811 : vector<16xi32>
    %shift_left3A_813 = arith.constant 13 : i32
    %shift_left3A_814 = vector.broadcast %shift_left3A_813 : i32 to vector<16xi32>
    %shift_left3A_815 = arith.shli %add3A_811, %shift_left3A_814 : vector<16xi32>
    %shift_right_logical3A_816 = arith.constant 19 : i32
    %shift_right_logical3A_817 = vector.broadcast %shift_right_logical3A_816 : i32 to vector<16xi32>
    %shift_right_logical3A_818 = arith.shrui %add3A_811, %shift_right_logical3A_817 : vector<16xi32>
    %or3A_819 = arith.ori %shift_left3A_815, %shift_right_logical3A_818 : vector<16xi32>
    %xor3A_820 = arith.xori %or3A_819, %add3A_812 : vector<16xi32>
    %add3A_821 = arith.addi %add3A_812, %xor3A_820 : vector<16xi32>
    %shift_left3A_822 = arith.constant 15 : i32
    %shift_left3A_823 = vector.broadcast %shift_left3A_822 : i32 to vector<16xi32>
    %shift_left3A_824 = arith.shli %xor3A_820, %shift_left3A_823 : vector<16xi32>
    %shift_right_logical3A_825 = arith.constant 17 : i32
    %shift_right_logical3A_826 = vector.broadcast %shift_right_logical3A_825 : i32 to vector<16xi32>
    %shift_right_logical3A_827 = arith.shrui %xor3A_820, %shift_right_logical3A_826 : vector<16xi32>
    %or3A_828 = arith.ori %shift_left3A_824, %shift_right_logical3A_827 : vector<16xi32>
    %xor3A_829 = arith.xori %or3A_828, %add3A_821 : vector<16xi32>
    %add3A_830 = arith.addi %add3A_821, %xor3A_829 : vector<16xi32>
    %shift_left3A_831 = arith.constant 26 : i32
    %shift_left3A_832 = vector.broadcast %shift_left3A_831 : i32 to vector<16xi32>
    %shift_left3A_833 = arith.shli %xor3A_829, %shift_left3A_832 : vector<16xi32>
    %shift_right_logical3A_834 = arith.constant 6 : i32
    %shift_right_logical3A_835 = vector.broadcast %shift_right_logical3A_834 : i32 to vector<16xi32>
    %shift_right_logical3A_836 = arith.shrui %xor3A_829, %shift_right_logical3A_835 : vector<16xi32>
    %or3A_837 = arith.ori %shift_left3A_833, %shift_right_logical3A_836 : vector<16xi32>
    %xor3A_838 = arith.xori %or3A_837, %add3A_830 : vector<16xi32>
    %add3A_839 = arith.addi %add3A_830, %xor3A_838 : vector<16xi32>
    %shift_left3A_840 = arith.constant 6 : i32
    %shift_left3A_841 = vector.broadcast %shift_left3A_840 : i32 to vector<16xi32>
    %shift_left3A_842 = arith.shli %xor3A_838, %shift_left3A_841 : vector<16xi32>
    %shift_right_logical3A_843 = arith.constant 26 : i32
    %shift_right_logical3A_844 = vector.broadcast %shift_right_logical3A_843 : i32 to vector<16xi32>
    %shift_right_logical3A_845 = arith.shrui %xor3A_838, %shift_right_logical3A_844 : vector<16xi32>
    %or3A_846 = arith.ori %shift_left3A_842, %shift_right_logical3A_845 : vector<16xi32>
    %xor3A_847 = arith.xori %or3A_846, %add3A_839 : vector<16xi32>
    %add3A_848 = arith.addi %add3A_839, %xor3A_645 : vector<16xi32>
    %add3A_849 = arith.addi %xor3A_847, %add3A_637 : vector<16xi32>
    %add3A_850 = arith.constant 5 : i32
    %add3A_851 = vector.broadcast %add3A_850 : i32 to vector<16xi32>
    %add3A_852 = arith.addi %add3A_849, %add3A_851 : vector<16xi32>
    %broadcast_in_dim3A_853 = arith.constant 100000 : i32
    %broadcast_in_dim3A_854 = vector.broadcast %broadcast_in_dim3A_853 : i32 to vector<16xi32>
    %eq3A = arith.constant 31 : i32
    %eq3A_855 = arith.cmpi eq, %add3A, %eq3A : i32
    %mul3A_856 = arith.constant 128 : i32
    %mul3A_857 = arith.muli %add3A, %mul3A_856 : i32
    %min3A = arith.constant 3760 : i32
    %min3A_858 = arith.minsi %mul3A_857, %min3A : i32
    %add3A_859 = arith.constant 4 : i32
    %add3A_860 = arith.addi %add3A_859, %min3A_858 : i32
    %jit3A = arith.constant 0 : i32
    %select_n3A = arith.select %eq3A_855, %jit3A, %add3A_860 : i32
    %scan3A = arith.constant 0 : i32
    %scan3A_861 = arith.constant 0 : i32
    %scan3A_862 = arith.constant 8 : i32
    %scan3A_863 = arith.addi %scan3A_861, %scan3A_862 : i32
    %scan3A_864 = arith.constant 1 : i32
    scf.for %scan3A_894 = %scan3A_861 to %scan3A_863 step %scan3A_864  : i32 {
      %mul3A_895 = arith.constant 16 : i32
      %mul3A_896 = arith.muli %scan3A_894, %mul3A_895 : i32
      %add3A_897 = arith.addi %select_n3A, %mul3A_896 : i32
      %add3A_898 = vector.broadcast %add3A_897 : i32 to vector<16xi32>
      %add3A_899 = arith.addi %add3A_898, %iota3A : vector<16xi32>
      %xor3A_900 = arith.xori %add3A_848, %add3A_852 : vector<16xi32>
      %xor3A_901 = arith.constant 466688986 : i32
      %xor3A_902 = vector.broadcast %xor3A_901 : i32 to vector<16xi32>
      %xor3A_903 = arith.xori %xor3A_900, %xor3A_902 : vector<16xi32>
      %add3A_904 = arith.addi %broadcast_in_dim3A_1, %add3A_848 : vector<16xi32>
      %add3A_905 = arith.addi %add3A_899, %add3A_852 : vector<16xi32>
      %add3A_906 = arith.addi %add3A_904, %add3A_905 : vector<16xi32>
      %shift_left3A_907 = arith.constant 13 : i32
      %shift_left3A_908 = vector.broadcast %shift_left3A_907 : i32 to vector<16xi32>
      %shift_left3A_909 = arith.shli %add3A_905, %shift_left3A_908 : vector<16xi32>
      %shift_right_logical3A_910 = arith.constant 19 : i32
      %shift_right_logical3A_911 = vector.broadcast %shift_right_logical3A_910 : i32 to vector<16xi32>
      %shift_right_logical3A_912 = arith.shrui %add3A_905, %shift_right_logical3A_911 : vector<16xi32>
      %or3A_913 = arith.ori %shift_left3A_909, %shift_right_logical3A_912 : vector<16xi32>
      %xor3A_914 = arith.xori %or3A_913, %add3A_906 : vector<16xi32>
      %add3A_915 = arith.addi %add3A_906, %xor3A_914 : vector<16xi32>
      %shift_left3A_916 = arith.constant 15 : i32
      %shift_left3A_917 = vector.broadcast %shift_left3A_916 : i32 to vector<16xi32>
      %shift_left3A_918 = arith.shli %xor3A_914, %shift_left3A_917 : vector<16xi32>
      %shift_right_logical3A_919 = arith.constant 17 : i32
      %shift_right_logical3A_920 = vector.broadcast %shift_right_logical3A_919 : i32 to vector<16xi32>
      %shift_right_logical3A_921 = arith.shrui %xor3A_914, %shift_right_logical3A_920 : vector<16xi32>
      %or3A_922 = arith.ori %shift_left3A_918, %shift_right_logical3A_921 : vector<16xi32>
      %xor3A_923 = arith.xori %or3A_922, %add3A_915 : vector<16xi32>
      %add3A_924 = arith.addi %add3A_915, %xor3A_923 : vector<16xi32>
      %shift_left3A_925 = arith.constant 26 : i32
      %shift_left3A_926 = vector.broadcast %shift_left3A_925 : i32 to vector<16xi32>
      %shift_left3A_927 = arith.shli %xor3A_923, %shift_left3A_926 : vector<16xi32>
      %shift_right_logical3A_928 = arith.constant 6 : i32
      %shift_right_logical3A_929 = vector.broadcast %shift_right_logical3A_928 : i32 to vector<16xi32>
      %shift_right_logical3A_930 = arith.shrui %xor3A_923, %shift_right_logical3A_929 : vector<16xi32>
      %or3A_931 = arith.ori %shift_left3A_927, %shift_right_logical3A_930 : vector<16xi32>
      %xor3A_932 = arith.xori %or3A_931, %add3A_924 : vector<16xi32>
      %add3A_933 = arith.addi %add3A_924, %xor3A_932 : vector<16xi32>
      %shift_left3A_934 = arith.constant 6 : i32
      %shift_left3A_935 = vector.broadcast %shift_left3A_934 : i32 to vector<16xi32>
      %shift_left3A_936 = arith.shli %xor3A_932, %shift_left3A_935 : vector<16xi32>
      %shift_right_logical3A_937 = arith.constant 26 : i32
      %shift_right_logical3A_938 = vector.broadcast %shift_right_logical3A_937 : i32 to vector<16xi32>
      %shift_right_logical3A_939 = arith.shrui %xor3A_932, %shift_right_logical3A_938 : vector<16xi32>
      %or3A_940 = arith.ori %shift_left3A_936, %shift_right_logical3A_939 : vector<16xi32>
      %xor3A_941 = arith.xori %or3A_940, %add3A_933 : vector<16xi32>
      %add3A_942 = arith.addi %add3A_933, %add3A_852 : vector<16xi32>
      %add3A_943 = arith.addi %xor3A_941, %xor3A_903 : vector<16xi32>
      %add3A_944 = arith.constant 1 : i32
      %add3A_945 = vector.broadcast %add3A_944 : i32 to vector<16xi32>
      %add3A_946 = arith.addi %add3A_943, %add3A_945 : vector<16xi32>
      %add3A_947 = arith.addi %add3A_942, %add3A_946 : vector<16xi32>
      %shift_left3A_948 = arith.constant 17 : i32
      %shift_left3A_949 = vector.broadcast %shift_left3A_948 : i32 to vector<16xi32>
      %shift_left3A_950 = arith.shli %add3A_946, %shift_left3A_949 : vector<16xi32>
      %shift_right_logical3A_951 = arith.constant 15 : i32
      %shift_right_logical3A_952 = vector.broadcast %shift_right_logical3A_951 : i32 to vector<16xi32>
      %shift_right_logical3A_953 = arith.shrui %add3A_946, %shift_right_logical3A_952 : vector<16xi32>
      %or3A_954 = arith.ori %shift_left3A_950, %shift_right_logical3A_953 : vector<16xi32>
      %xor3A_955 = arith.xori %or3A_954, %add3A_947 : vector<16xi32>
      %add3A_956 = arith.addi %add3A_947, %xor3A_955 : vector<16xi32>
      %shift_left3A_957 = arith.constant 29 : i32
      %shift_left3A_958 = vector.broadcast %shift_left3A_957 : i32 to vector<16xi32>
      %shift_left3A_959 = arith.shli %xor3A_955, %shift_left3A_958 : vector<16xi32>
      %shift_right_logical3A_960 = arith.constant 3 : i32
      %shift_right_logical3A_961 = vector.broadcast %shift_right_logical3A_960 : i32 to vector<16xi32>
      %shift_right_logical3A_962 = arith.shrui %xor3A_955, %shift_right_logical3A_961 : vector<16xi32>
      %or3A_963 = arith.ori %shift_left3A_959, %shift_right_logical3A_962 : vector<16xi32>
      %xor3A_964 = arith.xori %or3A_963, %add3A_956 : vector<16xi32>
      %add3A_965 = arith.addi %add3A_956, %xor3A_964 : vector<16xi32>
      %shift_left3A_966 = arith.constant 16 : i32
      %shift_left3A_967 = vector.broadcast %shift_left3A_966 : i32 to vector<16xi32>
      %shift_left3A_968 = arith.shli %xor3A_964, %shift_left3A_967 : vector<16xi32>
      %shift_right_logical3A_969 = arith.constant 16 : i32
      %shift_right_logical3A_970 = vector.broadcast %shift_right_logical3A_969 : i32 to vector<16xi32>
      %shift_right_logical3A_971 = arith.shrui %xor3A_964, %shift_right_logical3A_970 : vector<16xi32>
      %or3A_972 = arith.ori %shift_left3A_968, %shift_right_logical3A_971 : vector<16xi32>
      %xor3A_973 = arith.xori %or3A_972, %add3A_965 : vector<16xi32>
      %add3A_974 = arith.addi %add3A_965, %xor3A_973 : vector<16xi32>
      %shift_left3A_975 = arith.constant 24 : i32
      %shift_left3A_976 = vector.broadcast %shift_left3A_975 : i32 to vector<16xi32>
      %shift_left3A_977 = arith.shli %xor3A_973, %shift_left3A_976 : vector<16xi32>
      %shift_right_logical3A_978 = arith.constant 8 : i32
      %shift_right_logical3A_979 = vector.broadcast %shift_right_logical3A_978 : i32 to vector<16xi32>
      %shift_right_logical3A_980 = arith.shrui %xor3A_973, %shift_right_logical3A_979 : vector<16xi32>
      %or3A_981 = arith.ori %shift_left3A_977, %shift_right_logical3A_980 : vector<16xi32>
      %xor3A_982 = arith.xori %or3A_981, %add3A_974 : vector<16xi32>
      %add3A_983 = arith.addi %add3A_974, %xor3A_903 : vector<16xi32>
      %add3A_984 = arith.addi %xor3A_982, %add3A_848 : vector<16xi32>
      %add3A_985 = arith.constant 2 : i32
      %add3A_986 = vector.broadcast %add3A_985 : i32 to vector<16xi32>
      %add3A_987 = arith.addi %add3A_984, %add3A_986 : vector<16xi32>
      %add3A_988 = arith.addi %add3A_983, %add3A_987 : vector<16xi32>
      %shift_left3A_989 = arith.constant 13 : i32
      %shift_left3A_990 = vector.broadcast %shift_left3A_989 : i32 to vector<16xi32>
      %shift_left3A_991 = arith.shli %add3A_987, %shift_left3A_990 : vector<16xi32>
      %shift_right_logical3A_992 = arith.constant 19 : i32
      %shift_right_logical3A_993 = vector.broadcast %shift_right_logical3A_992 : i32 to vector<16xi32>
      %shift_right_logical3A_994 = arith.shrui %add3A_987, %shift_right_logical3A_993 : vector<16xi32>
      %or3A_995 = arith.ori %shift_left3A_991, %shift_right_logical3A_994 : vector<16xi32>
      %xor3A_996 = arith.xori %or3A_995, %add3A_988 : vector<16xi32>
      %add3A_997 = arith.addi %add3A_988, %xor3A_996 : vector<16xi32>
      %shift_left3A_998 = arith.constant 15 : i32
      %shift_left3A_999 = vector.broadcast %shift_left3A_998 : i32 to vector<16xi32>
      %shift_left3A_1000 = arith.shli %xor3A_996, %shift_left3A_999 : vector<16xi32>
      %shift_right_logical3A_1001 = arith.constant 17 : i32
      %shift_right_logical3A_1002 = vector.broadcast %shift_right_logical3A_1001 : i32 to vector<16xi32>
      %shift_right_logical3A_1003 = arith.shrui %xor3A_996, %shift_right_logical3A_1002 : vector<16xi32>
      %or3A_1004 = arith.ori %shift_left3A_1000, %shift_right_logical3A_1003 : vector<16xi32>
      %xor3A_1005 = arith.xori %or3A_1004, %add3A_997 : vector<16xi32>
      %add3A_1006 = arith.addi %add3A_997, %xor3A_1005 : vector<16xi32>
      %shift_left3A_1007 = arith.constant 26 : i32
      %shift_left3A_1008 = vector.broadcast %shift_left3A_1007 : i32 to vector<16xi32>
      %shift_left3A_1009 = arith.shli %xor3A_1005, %shift_left3A_1008 : vector<16xi32>
      %shift_right_logical3A_1010 = arith.constant 6 : i32
      %shift_right_logical3A_1011 = vector.broadcast %shift_right_logical3A_1010 : i32 to vector<16xi32>
      %shift_right_logical3A_1012 = arith.shrui %xor3A_1005, %shift_right_logical3A_1011 : vector<16xi32>
      %or3A_1013 = arith.ori %shift_left3A_1009, %shift_right_logical3A_1012 : vector<16xi32>
      %xor3A_1014 = arith.xori %or3A_1013, %add3A_1006 : vector<16xi32>
      %add3A_1015 = arith.addi %add3A_1006, %xor3A_1014 : vector<16xi32>
      %shift_left3A_1016 = arith.constant 6 : i32
      %shift_left3A_1017 = vector.broadcast %shift_left3A_1016 : i32 to vector<16xi32>
      %shift_left3A_1018 = arith.shli %xor3A_1014, %shift_left3A_1017 : vector<16xi32>
      %shift_right_logical3A_1019 = arith.constant 26 : i32
      %shift_right_logical3A_1020 = vector.broadcast %shift_right_logical3A_1019 : i32 to vector<16xi32>
      %shift_right_logical3A_1021 = arith.shrui %xor3A_1014, %shift_right_logical3A_1020 : vector<16xi32>
      %or3A_1022 = arith.ori %shift_left3A_1018, %shift_right_logical3A_1021 : vector<16xi32>
      %xor3A_1023 = arith.xori %or3A_1022, %add3A_1015 : vector<16xi32>
      %add3A_1024 = arith.addi %add3A_1015, %add3A_848 : vector<16xi32>
      %add3A_1025 = arith.addi %xor3A_1023, %add3A_852 : vector<16xi32>
      %add3A_1026 = arith.constant 3 : i32
      %add3A_1027 = vector.broadcast %add3A_1026 : i32 to vector<16xi32>
      %add3A_1028 = arith.addi %add3A_1025, %add3A_1027 : vector<16xi32>
      %add3A_1029 = arith.addi %add3A_1024, %add3A_1028 : vector<16xi32>
      %shift_left3A_1030 = arith.constant 17 : i32
      %shift_left3A_1031 = vector.broadcast %shift_left3A_1030 : i32 to vector<16xi32>
      %shift_left3A_1032 = arith.shli %add3A_1028, %shift_left3A_1031 : vector<16xi32>
      %shift_right_logical3A_1033 = arith.constant 15 : i32
      %shift_right_logical3A_1034 = vector.broadcast %shift_right_logical3A_1033 : i32 to vector<16xi32>
      %shift_right_logical3A_1035 = arith.shrui %add3A_1028, %shift_right_logical3A_1034 : vector<16xi32>
      %or3A_1036 = arith.ori %shift_left3A_1032, %shift_right_logical3A_1035 : vector<16xi32>
      %xor3A_1037 = arith.xori %or3A_1036, %add3A_1029 : vector<16xi32>
      %add3A_1038 = arith.addi %add3A_1029, %xor3A_1037 : vector<16xi32>
      %shift_left3A_1039 = arith.constant 29 : i32
      %shift_left3A_1040 = vector.broadcast %shift_left3A_1039 : i32 to vector<16xi32>
      %shift_left3A_1041 = arith.shli %xor3A_1037, %shift_left3A_1040 : vector<16xi32>
      %shift_right_logical3A_1042 = arith.constant 3 : i32
      %shift_right_logical3A_1043 = vector.broadcast %shift_right_logical3A_1042 : i32 to vector<16xi32>
      %shift_right_logical3A_1044 = arith.shrui %xor3A_1037, %shift_right_logical3A_1043 : vector<16xi32>
      %or3A_1045 = arith.ori %shift_left3A_1041, %shift_right_logical3A_1044 : vector<16xi32>
      %xor3A_1046 = arith.xori %or3A_1045, %add3A_1038 : vector<16xi32>
      %add3A_1047 = arith.addi %add3A_1038, %xor3A_1046 : vector<16xi32>
      %shift_left3A_1048 = arith.constant 16 : i32
      %shift_left3A_1049 = vector.broadcast %shift_left3A_1048 : i32 to vector<16xi32>
      %shift_left3A_1050 = arith.shli %xor3A_1046, %shift_left3A_1049 : vector<16xi32>
      %shift_right_logical3A_1051 = arith.constant 16 : i32
      %shift_right_logical3A_1052 = vector.broadcast %shift_right_logical3A_1051 : i32 to vector<16xi32>
      %shift_right_logical3A_1053 = arith.shrui %xor3A_1046, %shift_right_logical3A_1052 : vector<16xi32>
      %or3A_1054 = arith.ori %shift_left3A_1050, %shift_right_logical3A_1053 : vector<16xi32>
      %xor3A_1055 = arith.xori %or3A_1054, %add3A_1047 : vector<16xi32>
      %add3A_1056 = arith.addi %add3A_1047, %xor3A_1055 : vector<16xi32>
      %shift_left3A_1057 = arith.constant 24 : i32
      %shift_left3A_1058 = vector.broadcast %shift_left3A_1057 : i32 to vector<16xi32>
      %shift_left3A_1059 = arith.shli %xor3A_1055, %shift_left3A_1058 : vector<16xi32>
      %shift_right_logical3A_1060 = arith.constant 8 : i32
      %shift_right_logical3A_1061 = vector.broadcast %shift_right_logical3A_1060 : i32 to vector<16xi32>
      %shift_right_logical3A_1062 = arith.shrui %xor3A_1055, %shift_right_logical3A_1061 : vector<16xi32>
      %or3A_1063 = arith.ori %shift_left3A_1059, %shift_right_logical3A_1062 : vector<16xi32>
      %xor3A_1064 = arith.xori %or3A_1063, %add3A_1056 : vector<16xi32>
      %add3A_1065 = arith.addi %add3A_1056, %add3A_852 : vector<16xi32>
      %add3A_1066 = arith.addi %xor3A_1064, %xor3A_903 : vector<16xi32>
      %add3A_1067 = arith.constant 4 : i32
      %add3A_1068 = vector.broadcast %add3A_1067 : i32 to vector<16xi32>
      %add3A_1069 = arith.addi %add3A_1066, %add3A_1068 : vector<16xi32>
      %add3A_1070 = arith.addi %add3A_1065, %add3A_1069 : vector<16xi32>
      %shift_left3A_1071 = arith.constant 13 : i32
      %shift_left3A_1072 = vector.broadcast %shift_left3A_1071 : i32 to vector<16xi32>
      %shift_left3A_1073 = arith.shli %add3A_1069, %shift_left3A_1072 : vector<16xi32>
      %shift_right_logical3A_1074 = arith.constant 19 : i32
      %shift_right_logical3A_1075 = vector.broadcast %shift_right_logical3A_1074 : i32 to vector<16xi32>
      %shift_right_logical3A_1076 = arith.shrui %add3A_1069, %shift_right_logical3A_1075 : vector<16xi32>
      %or3A_1077 = arith.ori %shift_left3A_1073, %shift_right_logical3A_1076 : vector<16xi32>
      %xor3A_1078 = arith.xori %or3A_1077, %add3A_1070 : vector<16xi32>
      %add3A_1079 = arith.addi %add3A_1070, %xor3A_1078 : vector<16xi32>
      %shift_left3A_1080 = arith.constant 15 : i32
      %shift_left3A_1081 = vector.broadcast %shift_left3A_1080 : i32 to vector<16xi32>
      %shift_left3A_1082 = arith.shli %xor3A_1078, %shift_left3A_1081 : vector<16xi32>
      %shift_right_logical3A_1083 = arith.constant 17 : i32
      %shift_right_logical3A_1084 = vector.broadcast %shift_right_logical3A_1083 : i32 to vector<16xi32>
      %shift_right_logical3A_1085 = arith.shrui %xor3A_1078, %shift_right_logical3A_1084 : vector<16xi32>
      %or3A_1086 = arith.ori %shift_left3A_1082, %shift_right_logical3A_1085 : vector<16xi32>
      %xor3A_1087 = arith.xori %or3A_1086, %add3A_1079 : vector<16xi32>
      %add3A_1088 = arith.addi %add3A_1079, %xor3A_1087 : vector<16xi32>
      %shift_left3A_1089 = arith.constant 26 : i32
      %shift_left3A_1090 = vector.broadcast %shift_left3A_1089 : i32 to vector<16xi32>
      %shift_left3A_1091 = arith.shli %xor3A_1087, %shift_left3A_1090 : vector<16xi32>
      %shift_right_logical3A_1092 = arith.constant 6 : i32
      %shift_right_logical3A_1093 = vector.broadcast %shift_right_logical3A_1092 : i32 to vector<16xi32>
      %shift_right_logical3A_1094 = arith.shrui %xor3A_1087, %shift_right_logical3A_1093 : vector<16xi32>
      %or3A_1095 = arith.ori %shift_left3A_1091, %shift_right_logical3A_1094 : vector<16xi32>
      %xor3A_1096 = arith.xori %or3A_1095, %add3A_1088 : vector<16xi32>
      %add3A_1097 = arith.addi %add3A_1088, %xor3A_1096 : vector<16xi32>
      %shift_left3A_1098 = arith.constant 6 : i32
      %shift_left3A_1099 = vector.broadcast %shift_left3A_1098 : i32 to vector<16xi32>
      %shift_left3A_1100 = arith.shli %xor3A_1096, %shift_left3A_1099 : vector<16xi32>
      %shift_right_logical3A_1101 = arith.constant 26 : i32
      %shift_right_logical3A_1102 = vector.broadcast %shift_right_logical3A_1101 : i32 to vector<16xi32>
      %shift_right_logical3A_1103 = arith.shrui %xor3A_1096, %shift_right_logical3A_1102 : vector<16xi32>
      %or3A_1104 = arith.ori %shift_left3A_1100, %shift_right_logical3A_1103 : vector<16xi32>
      %xor3A_1105 = arith.xori %or3A_1104, %add3A_1097 : vector<16xi32>
      %add3A_1106 = arith.addi %add3A_1097, %xor3A_903 : vector<16xi32>
      %add3A_1107 = arith.addi %xor3A_1105, %add3A_848 : vector<16xi32>
      %add3A_1108 = arith.constant 5 : i32
      %add3A_1109 = vector.broadcast %add3A_1108 : i32 to vector<16xi32>
      %add3A_1110 = arith.addi %add3A_1107, %add3A_1109 : vector<16xi32>
      %xor3A_1111 = arith.xori %add3A_1106, %add3A_1110 : vector<16xi32>
      %eq3A_1112 = arith.constant 0 : i32
      %eq3A_1113 = vector.broadcast %eq3A_1112 : i32 to vector<16xi32>
      %eq3A_1114 = arith.cmpi eq, %broadcast_in_dim3A_854, %eq3A_1113 : vector<16xi32>
      %broadcast_in_dim3A_1115 = arith.constant 1 : i32
      %broadcast_in_dim3A_1116 = vector.broadcast %broadcast_in_dim3A_1115 : i32 to vector<16xi32>
      %select_n3A_1117 = arith.select %eq3A_1114, %broadcast_in_dim3A_1116, %broadcast_in_dim3A_854 : vector<16xi1>, vector<16xi32>
      %rem3A = arith.remui %xor3A_1111, %select_n3A_1117 : vector<16xi32>
      %ne3A = arith.constant 0 : i32
      %ne3A_1118 = vector.broadcast %ne3A : i32 to vector<16xi32>
      %ne3A_1119 = arith.cmpi ne, %rem3A, %ne3A_1118 : vector<16xi32>
      %lt3A_1120 = arith.constant 0 : i32
      %lt3A_1121 = vector.broadcast %lt3A_1120 : i32 to vector<16xi32>
      %lt3A_1122 = arith.cmpi ult, %rem3A, %lt3A_1121 : vector<16xi32>
      %lt3A_1123 = arith.constant 0 : i32
      %lt3A_1124 = vector.broadcast %lt3A_1123 : i32 to vector<16xi32>
      %lt3A_1125 = arith.cmpi ult, %select_n3A_1117, %lt3A_1124 : vector<16xi32>
      %ne3A_1126 = arith.xori %lt3A_1122, %lt3A_1125 : vector<16xi1>
      %and3A = arith.andi %ne3A_1126, %ne3A_1119 : vector<16xi1>
      %add3A_1127 = arith.addi %rem3A, %select_n3A_1117 : vector<16xi32>
      %select_n3A_1128 = arith.select %and3A, %add3A_1127, %rem3A : vector<16xi1>, vector<16xi32>
      %mul3A_1129 = arith.constant 16 : i32
      %mul3A_1130 = arith.muli %scan3A_894, %mul3A_1129 : i32
      %swap3A = arith.index_cast %mul3A_1130 : i32 to index
      %swap3A_1131 = tpu.vector_load %arg6[%swap3A] {strides = array<i32>} : memref<128xi32, #tpu.memory_space<vmem>>, vector<16xi32>,
      %swap3A_1132 = vector.shape_cast %swap3A_1131 : vector<16xi32> to vector<16xi32>
      %swap3A_1133 = vector.shape_cast %select_n3A_1128 : vector<16xi32> to vector<16xi32>
      tpu.vector_store %arg6[%swap3A], %swap3A_1133 {strides = array<i32>} : memref<128xi32, #tpu.memory_space<vmem>>, vector<16xi32>,
    }
    %scan3A_865 = arith.constant 8 : i32
    %lt3A = arith.constant 31 : i32
    %lt3A_866 = arith.cmpi slt, %add3A, %lt3A : i32
    %convert_element_type3A = arith.extui %lt3A_866 : i1 to i32
    %cond3A = arith.constant 0 : i32
    %cond3A_867 = arith.cmpi ne, %convert_element_type3A, %cond3A : i32
    scf.if %cond3A_867 {
      %dma_start3A = arith.constant 0 : i32
      %dma_start3A_894 = arith.constant 0 : i32
      %dma_start3A_895 = tpu.memref_slice %arg2[%dma_start3A, %dma_start3A_894] : memref<100000x128xf32, #tpu.memory_space<hbm>> -> memref<100000x128xf32, #tpu.memory_space<hbm>>
      tpu.enqueue_indirect_dma source(%dma_start3A_895 : memref<100000x128xf32, #tpu.memory_space<hbm>>) target(%arg8 : memref<128x128xf32, #tpu.memory_space<vmem>>) offsets(%arg6 : memref<128xi32, #tpu.memory_space<vmem>>) semaphore(%arg9 : memref<!tpu.dma_semaphore, #tpu.memory_space<semaphore_mem>>)
    } else {
    }
    %eq3A_868 = arith.constant 31 : i32
    %eq3A_869 = arith.cmpi eq, %add3A, %eq3A_868 : i32
    %convert_element_type3A_870 = arith.extui %eq3A_869 : i1 to i32
    %cond3A_871 = arith.constant 0 : i32
    %cond3A_872 = arith.cmpi ne, %convert_element_type3A_870, %cond3A_871 : i32
    scf.if %cond3A_872 {
      %dma_start3A = arith.constant 4 : i32
      %dma_start3A_894 = arith.constant 0 : i32
      %dma_start3A_895 = tpu.memref_slice %arg7[%dma_start3A, %dma_start3A_894] : memref<8x128xf32, #tpu.memory_space<vmem>> -> memref<4x128xf32, #tpu.memory_space<vmem>>
      %dma_start3A_896 = arith.constant 0 : i32
      %dma_start3A_897 = tpu.memref_slice %arg6[%dma_start3A_896] : memref<128xi32, #tpu.memory_space<vmem>> -> memref<4xi32, #tpu.memory_space<vmem>>
      %dma_start3A_898 = arith.constant 0 : i32
      %dma_start3A_899 = arith.constant 0 : i32
      %dma_start3A_900 = tpu.memref_slice %arg2[%dma_start3A_898, %dma_start3A_899] : memref<100000x128xf32, #tpu.memory_space<hbm>> -> memref<100000x128xf32, #tpu.memory_space<hbm>>
      tpu.enqueue_indirect_dma source(%dma_start3A_900 : memref<100000x128xf32, #tpu.memory_space<hbm>>) target(%dma_start3A_895 : memref<4x128xf32, #tpu.memory_space<vmem>>) offsets(%dma_start3A_897 : memref<4xi32, #tpu.memory_space<vmem>>) semaphore(%arg9 : memref<!tpu.dma_semaphore, #tpu.memory_space<semaphore_mem>>)
    } else {
    }
    %lt3A_873 = arith.constant 25 : i32
    %lt3A_874 = arith.cmpi slt, %add3A, %lt3A_873 : i32
    %eq3A_875 = arith.constant 31 : i32
    %eq3A_876 = arith.cmpi eq, %add3A, %eq3A_875 : i32
    %or3A_877 = arith.ori %lt3A_874, %eq3A_876 : i1
    %convert_element_type3A_878 = arith.extui %or3A_877 : i1 to i32
    %cond3A_879 = arith.constant 0 : i32
    %cond3A_880 = arith.cmpi ne, %convert_element_type3A_878, %cond3A_879 : i32
    scf.if %cond3A_880 {
      %eq3A_894 = arith.constant 31 : i32
      %eq3A_895 = arith.cmpi eq, %add3A, %eq3A_894 : i32
      %mul3A_896 = arith.constant 8 : i32
      %mul3A_897 = arith.muli %add3A, %mul3A_896 : i32
      %jit3A_898 = arith.constant 200 : i32
      %select_n3A_899 = arith.select %eq3A_895, %jit3A_898, %mul3A_897 : i32
      %eq3A_900 = arith.constant 31 : i32
      %eq3A_901 = arith.cmpi eq, %add3A, %eq3A_900 : i32
      %jit3A_902 = arith.constant 32 : i32
      %jit3A_903 = arith.constant 64 : i32
      %select_n3A_904 = arith.select %eq3A_901, %jit3A_902, %jit3A_903 : i32
      %while3A = arith.constant 0 : i32
      %while3A_905 = arith.constant 0 : i32
      %while3A_906 = arith.subi %select_n3A_904, %while3A_905 : i32
      %while3A_907 = arith.addi %while3A_905, %while3A_906 : i32
      %while3A_908 = arith.constant 1 : i32
      %while3A_909 = arith.divsi %while3A_906, %while3A_908 : i32
      %while3A_910 = arith.muli %while3A_909, %while3A_908 : i32
      %while3A_911 = arith.addi %while3A_905, %while3A_910 : i32
      %while3A_912 = arith.constant 1 : i32
      scf.for %while3A_922 = %while3A_905 to %while3A_911 step %while3A_912  : i32 {
        %mul3A_923 = arith.constant 128 : i32
        %mul3A_924 = arith.muli %select_n3A_899, %mul3A_923 : i32
        %mul3A_925 = arith.constant 16 : i32
        %mul3A_926 = arith.muli %while3A_922, %mul3A_925 : i32
        %add3A_927 = arith.addi %mul3A_924, %mul3A_926 : i32
        %add3A_928 = vector.broadcast %add3A_927 : i32 to vector<16xi32>
        %add3A_929 = arith.addi %add3A_928, %iota3A : vector<16xi32>
        %xor3A_930 = arith.xori %add3A_426, %add3A_430 : vector<16xi32>
        %xor3A_931 = arith.constant 466688986 : i32
        %xor3A_932 = vector.broadcast %xor3A_931 : i32 to vector<16xi32>
        %xor3A_933 = arith.xori %xor3A_930, %xor3A_932 : vector<16xi32>
        %add3A_934 = arith.addi %broadcast_in_dim3A_1, %add3A_426 : vector<16xi32>
        %add3A_935 = arith.addi %add3A_929, %add3A_430 : vector<16xi32>
        %add3A_936 = arith.addi %add3A_934, %add3A_935 : vector<16xi32>
        %shift_left3A_937 = arith.constant 13 : i32
        %shift_left3A_938 = vector.broadcast %shift_left3A_937 : i32 to vector<16xi32>
        %shift_left3A_939 = arith.shli %add3A_935, %shift_left3A_938 : vector<16xi32>
        %shift_right_logical3A_940 = arith.constant 19 : i32
        %shift_right_logical3A_941 = vector.broadcast %shift_right_logical3A_940 : i32 to vector<16xi32>
        %shift_right_logical3A_942 = arith.shrui %add3A_935, %shift_right_logical3A_941 : vector<16xi32>
        %or3A_943 = arith.ori %shift_left3A_939, %shift_right_logical3A_942 : vector<16xi32>
        %xor3A_944 = arith.xori %or3A_943, %add3A_936 : vector<16xi32>
        %add3A_945 = arith.addi %add3A_936, %xor3A_944 : vector<16xi32>
        %shift_left3A_946 = arith.constant 15 : i32
        %shift_left3A_947 = vector.broadcast %shift_left3A_946 : i32 to vector<16xi32>
        %shift_left3A_948 = arith.shli %xor3A_944, %shift_left3A_947 : vector<16xi32>
        %shift_right_logical3A_949 = arith.constant 17 : i32
        %shift_right_logical3A_950 = vector.broadcast %shift_right_logical3A_949 : i32 to vector<16xi32>
        %shift_right_logical3A_951 = arith.shrui %xor3A_944, %shift_right_logical3A_950 : vector<16xi32>
        %or3A_952 = arith.ori %shift_left3A_948, %shift_right_logical3A_951 : vector<16xi32>
        %xor3A_953 = arith.xori %or3A_952, %add3A_945 : vector<16xi32>
        %add3A_954 = arith.addi %add3A_945, %xor3A_953 : vector<16xi32>
        %shift_left3A_955 = arith.constant 26 : i32
        %shift_left3A_956 = vector.broadcast %shift_left3A_955 : i32 to vector<16xi32>
        %shift_left3A_957 = arith.shli %xor3A_953, %shift_left3A_956 : vector<16xi32>
        %shift_right_logical3A_958 = arith.constant 6 : i32
        %shift_right_logical3A_959 = vector.broadcast %shift_right_logical3A_958 : i32 to vector<16xi32>
        %shift_right_logical3A_960 = arith.shrui %xor3A_953, %shift_right_logical3A_959 : vector<16xi32>
        %or3A_961 = arith.ori %shift_left3A_957, %shift_right_logical3A_960 : vector<16xi32>
        %xor3A_962 = arith.xori %or3A_961, %add3A_954 : vector<16xi32>
        %add3A_963 = arith.addi %add3A_954, %xor3A_962 : vector<16xi32>
        %shift_left3A_964 = arith.constant 6 : i32
        %shift_left3A_965 = vector.broadcast %shift_left3A_964 : i32 to vector<16xi32>
        %shift_left3A_966 = arith.shli %xor3A_962, %shift_left3A_965 : vector<16xi32>
        %shift_right_logical3A_967 = arith.constant 26 : i32
        %shift_right_logical3A_968 = vector.broadcast %shift_right_logical3A_967 : i32 to vector<16xi32>
        %shift_right_logical3A_969 = arith.shrui %xor3A_962, %shift_right_logical3A_968 : vector<16xi32>
        %or3A_970 = arith.ori %shift_left3A_966, %shift_right_logical3A_969 : vector<16xi32>
        %xor3A_971 = arith.xori %or3A_970, %add3A_963 : vector<16xi32>
        %add3A_972 = arith.addi %add3A_963, %add3A_430 : vector<16xi32>
        %add3A_973 = arith.addi %xor3A_971, %xor3A_933 : vector<16xi32>
        %add3A_974 = arith.constant 1 : i32
        %add3A_975 = vector.broadcast %add3A_974 : i32 to vector<16xi32>
        %add3A_976 = arith.addi %add3A_973, %add3A_975 : vector<16xi32>
        %add3A_977 = arith.addi %add3A_972, %add3A_976 : vector<16xi32>
        %shift_left3A_978 = arith.constant 17 : i32
        %shift_left3A_979 = vector.broadcast %shift_left3A_978 : i32 to vector<16xi32>
        %shift_left3A_980 = arith.shli %add3A_976, %shift_left3A_979 : vector<16xi32>
        %shift_right_logical3A_981 = arith.constant 15 : i32
        %shift_right_logical3A_982 = vector.broadcast %shift_right_logical3A_981 : i32 to vector<16xi32>
        %shift_right_logical3A_983 = arith.shrui %add3A_976, %shift_right_logical3A_982 : vector<16xi32>
        %or3A_984 = arith.ori %shift_left3A_980, %shift_right_logical3A_983 : vector<16xi32>
        %xor3A_985 = arith.xori %or3A_984, %add3A_977 : vector<16xi32>
        %add3A_986 = arith.addi %add3A_977, %xor3A_985 : vector<16xi32>
        %shift_left3A_987 = arith.constant 29 : i32
        %shift_left3A_988 = vector.broadcast %shift_left3A_987 : i32 to vector<16xi32>
        %shift_left3A_989 = arith.shli %xor3A_985, %shift_left3A_988 : vector<16xi32>
        %shift_right_logical3A_990 = arith.constant 3 : i32
        %shift_right_logical3A_991 = vector.broadcast %shift_right_logical3A_990 : i32 to vector<16xi32>
        %shift_right_logical3A_992 = arith.shrui %xor3A_985, %shift_right_logical3A_991 : vector<16xi32>
        %or3A_993 = arith.ori %shift_left3A_989, %shift_right_logical3A_992 : vector<16xi32>
        %xor3A_994 = arith.xori %or3A_993, %add3A_986 : vector<16xi32>
        %add3A_995 = arith.addi %add3A_986, %xor3A_994 : vector<16xi32>
        %shift_left3A_996 = arith.constant 16 : i32
        %shift_left3A_997 = vector.broadcast %shift_left3A_996 : i32 to vector<16xi32>
        %shift_left3A_998 = arith.shli %xor3A_994, %shift_left3A_997 : vector<16xi32>
        %shift_right_logical3A_999 = arith.constant 16 : i32
        %shift_right_logical3A_1000 = vector.broadcast %shift_right_logical3A_999 : i32 to vector<16xi32>
        %shift_right_logical3A_1001 = arith.shrui %xor3A_994, %shift_right_logical3A_1000 : vector<16xi32>
        %or3A_1002 = arith.ori %shift_left3A_998, %shift_right_logical3A_1001 : vector<16xi32>
        %xor3A_1003 = arith.xori %or3A_1002, %add3A_995 : vector<16xi32>
        %add3A_1004 = arith.addi %add3A_995, %xor3A_1003 : vector<16xi32>
        %shift_left3A_1005 = arith.constant 24 : i32
        %shift_left3A_1006 = vector.broadcast %shift_left3A_1005 : i32 to vector<16xi32>
        %shift_left3A_1007 = arith.shli %xor3A_1003, %shift_left3A_1006 : vector<16xi32>
        %shift_right_logical3A_1008 = arith.constant 8 : i32
        %shift_right_logical3A_1009 = vector.broadcast %shift_right_logical3A_1008 : i32 to vector<16xi32>
        %shift_right_logical3A_1010 = arith.shrui %xor3A_1003, %shift_right_logical3A_1009 : vector<16xi32>
        %or3A_1011 = arith.ori %shift_left3A_1007, %shift_right_logical3A_1010 : vector<16xi32>
        %xor3A_1012 = arith.xori %or3A_1011, %add3A_1004 : vector<16xi32>
        %add3A_1013 = arith.addi %add3A_1004, %xor3A_933 : vector<16xi32>
        %add3A_1014 = arith.addi %xor3A_1012, %add3A_426 : vector<16xi32>
        %add3A_1015 = arith.constant 2 : i32
        %add3A_1016 = vector.broadcast %add3A_1015 : i32 to vector<16xi32>
        %add3A_1017 = arith.addi %add3A_1014, %add3A_1016 : vector<16xi32>
        %add3A_1018 = arith.addi %add3A_1013, %add3A_1017 : vector<16xi32>
        %shift_left3A_1019 = arith.constant 13 : i32
        %shift_left3A_1020 = vector.broadcast %shift_left3A_1019 : i32 to vector<16xi32>
        %shift_left3A_1021 = arith.shli %add3A_1017, %shift_left3A_1020 : vector<16xi32>
        %shift_right_logical3A_1022 = arith.constant 19 : i32
        %shift_right_logical3A_1023 = vector.broadcast %shift_right_logical3A_1022 : i32 to vector<16xi32>
        %shift_right_logical3A_1024 = arith.shrui %add3A_1017, %shift_right_logical3A_1023 : vector<16xi32>
        %or3A_1025 = arith.ori %shift_left3A_1021, %shift_right_logical3A_1024 : vector<16xi32>
        %xor3A_1026 = arith.xori %or3A_1025, %add3A_1018 : vector<16xi32>
        %add3A_1027 = arith.addi %add3A_1018, %xor3A_1026 : vector<16xi32>
        %shift_left3A_1028 = arith.constant 15 : i32
        %shift_left3A_1029 = vector.broadcast %shift_left3A_1028 : i32 to vector<16xi32>
        %shift_left3A_1030 = arith.shli %xor3A_1026, %shift_left3A_1029 : vector<16xi32>
        %shift_right_logical3A_1031 = arith.constant 17 : i32
        %shift_right_logical3A_1032 = vector.broadcast %shift_right_logical3A_1031 : i32 to vector<16xi32>
        %shift_right_logical3A_1033 = arith.shrui %xor3A_1026, %shift_right_logical3A_1032 : vector<16xi32>
        %or3A_1034 = arith.ori %shift_left3A_1030, %shift_right_logical3A_1033 : vector<16xi32>
        %xor3A_1035 = arith.xori %or3A_1034, %add3A_1027 : vector<16xi32>
        %add3A_1036 = arith.addi %add3A_1027, %xor3A_1035 : vector<16xi32>
        %shift_left3A_1037 = arith.constant 26 : i32
        %shift_left3A_1038 = vector.broadcast %shift_left3A_1037 : i32 to vector<16xi32>
        %shift_left3A_1039 = arith.shli %xor3A_1035, %shift_left3A_1038 : vector<16xi32>
        %shift_right_logical3A_1040 = arith.constant 6 : i32
        %shift_right_logical3A_1041 = vector.broadcast %shift_right_logical3A_1040 : i32 to vector<16xi32>
        %shift_right_logical3A_1042 = arith.shrui %xor3A_1035, %shift_right_logical3A_1041 : vector<16xi32>
        %or3A_1043 = arith.ori %shift_left3A_1039, %shift_right_logical3A_1042 : vector<16xi32>
        %xor3A_1044 = arith.xori %or3A_1043, %add3A_1036 : vector<16xi32>
        %add3A_1045 = arith.addi %add3A_1036, %xor3A_1044 : vector<16xi32>
        %shift_left3A_1046 = arith.constant 6 : i32
        %shift_left3A_1047 = vector.broadcast %shift_left3A_1046 : i32 to vector<16xi32>
        %shift_left3A_1048 = arith.shli %xor3A_1044, %shift_left3A_1047 : vector<16xi32>
        %shift_right_logical3A_1049 = arith.constant 26 : i32
        %shift_right_logical3A_1050 = vector.broadcast %shift_right_logical3A_1049 : i32 to vector<16xi32>
        %shift_right_logical3A_1051 = arith.shrui %xor3A_1044, %shift_right_logical3A_1050 : vector<16xi32>
        %or3A_1052 = arith.ori %shift_left3A_1048, %shift_right_logical3A_1051 : vector<16xi32>
        %xor3A_1053 = arith.xori %or3A_1052, %add3A_1045 : vector<16xi32>
        %add3A_1054 = arith.addi %add3A_1045, %add3A_426 : vector<16xi32>
        %add3A_1055 = arith.addi %xor3A_1053, %add3A_430 : vector<16xi32>
        %add3A_1056 = arith.constant 3 : i32
        %add3A_1057 = vector.broadcast %add3A_1056 : i32 to vector<16xi32>
        %add3A_1058 = arith.addi %add3A_1055, %add3A_1057 : vector<16xi32>
        %add3A_1059 = arith.addi %add3A_1054, %add3A_1058 : vector<16xi32>
        %shift_left3A_1060 = arith.constant 17 : i32
        %shift_left3A_1061 = vector.broadcast %shift_left3A_1060 : i32 to vector<16xi32>
        %shift_left3A_1062 = arith.shli %add3A_1058, %shift_left3A_1061 : vector<16xi32>
        %shift_right_logical3A_1063 = arith.constant 15 : i32
        %shift_right_logical3A_1064 = vector.broadcast %shift_right_logical3A_1063 : i32 to vector<16xi32>
        %shift_right_logical3A_1065 = arith.shrui %add3A_1058, %shift_right_logical3A_1064 : vector<16xi32>
        %or3A_1066 = arith.ori %shift_left3A_1062, %shift_right_logical3A_1065 : vector<16xi32>
        %xor3A_1067 = arith.xori %or3A_1066, %add3A_1059 : vector<16xi32>
        %add3A_1068 = arith.addi %add3A_1059, %xor3A_1067 : vector<16xi32>
        %shift_left3A_1069 = arith.constant 29 : i32
        %shift_left3A_1070 = vector.broadcast %shift_left3A_1069 : i32 to vector<16xi32>
        %shift_left3A_1071 = arith.shli %xor3A_1067, %shift_left3A_1070 : vector<16xi32>
        %shift_right_logical3A_1072 = arith.constant 3 : i32
        %shift_right_logical3A_1073 = vector.broadcast %shift_right_logical3A_1072 : i32 to vector<16xi32>
        %shift_right_logical3A_1074 = arith.shrui %xor3A_1067, %shift_right_logical3A_1073 : vector<16xi32>
        %or3A_1075 = arith.ori %shift_left3A_1071, %shift_right_logical3A_1074 : vector<16xi32>
        %xor3A_1076 = arith.xori %or3A_1075, %add3A_1068 : vector<16xi32>
        %add3A_1077 = arith.addi %add3A_1068, %xor3A_1076 : vector<16xi32>
        %shift_left3A_1078 = arith.constant 16 : i32
        %shift_left3A_1079 = vector.broadcast %shift_left3A_1078 : i32 to vector<16xi32>
        %shift_left3A_1080 = arith.shli %xor3A_1076, %shift_left3A_1079 : vector<16xi32>
        %shift_right_logical3A_1081 = arith.constant 16 : i32
        %shift_right_logical3A_1082 = vector.broadcast %shift_right_logical3A_1081 : i32 to vector<16xi32>
        %shift_right_logical3A_1083 = arith.shrui %xor3A_1076, %shift_right_logical3A_1082 : vector<16xi32>
        %or3A_1084 = arith.ori %shift_left3A_1080, %shift_right_logical3A_1083 : vector<16xi32>
        %xor3A_1085 = arith.xori %or3A_1084, %add3A_1077 : vector<16xi32>
        %add3A_1086 = arith.addi %add3A_1077, %xor3A_1085 : vector<16xi32>
        %shift_left3A_1087 = arith.constant 24 : i32
        %shift_left3A_1088 = vector.broadcast %shift_left3A_1087 : i32 to vector<16xi32>
        %shift_left3A_1089 = arith.shli %xor3A_1085, %shift_left3A_1088 : vector<16xi32>
        %shift_right_logical3A_1090 = arith.constant 8 : i32
        %shift_right_logical3A_1091 = vector.broadcast %shift_right_logical3A_1090 : i32 to vector<16xi32>
        %shift_right_logical3A_1092 = arith.shrui %xor3A_1085, %shift_right_logical3A_1091 : vector<16xi32>
        %or3A_1093 = arith.ori %shift_left3A_1089, %shift_right_logical3A_1092 : vector<16xi32>
        %xor3A_1094 = arith.xori %or3A_1093, %add3A_1086 : vector<16xi32>
        %add3A_1095 = arith.addi %add3A_1086, %add3A_430 : vector<16xi32>
        %add3A_1096 = arith.addi %xor3A_1094, %xor3A_933 : vector<16xi32>
        %add3A_1097 = arith.constant 4 : i32
        %add3A_1098 = vector.broadcast %add3A_1097 : i32 to vector<16xi32>
        %add3A_1099 = arith.addi %add3A_1096, %add3A_1098 : vector<16xi32>
        %add3A_1100 = arith.addi %add3A_1095, %add3A_1099 : vector<16xi32>
        %shift_left3A_1101 = arith.constant 13 : i32
        %shift_left3A_1102 = vector.broadcast %shift_left3A_1101 : i32 to vector<16xi32>
        %shift_left3A_1103 = arith.shli %add3A_1099, %shift_left3A_1102 : vector<16xi32>
        %shift_right_logical3A_1104 = arith.constant 19 : i32
        %shift_right_logical3A_1105 = vector.broadcast %shift_right_logical3A_1104 : i32 to vector<16xi32>
        %shift_right_logical3A_1106 = arith.shrui %add3A_1099, %shift_right_logical3A_1105 : vector<16xi32>
        %or3A_1107 = arith.ori %shift_left3A_1103, %shift_right_logical3A_1106 : vector<16xi32>
        %xor3A_1108 = arith.xori %or3A_1107, %add3A_1100 : vector<16xi32>
        %add3A_1109 = arith.addi %add3A_1100, %xor3A_1108 : vector<16xi32>
        %shift_left3A_1110 = arith.constant 15 : i32
        %shift_left3A_1111 = vector.broadcast %shift_left3A_1110 : i32 to vector<16xi32>
        %shift_left3A_1112 = arith.shli %xor3A_1108, %shift_left3A_1111 : vector<16xi32>
        %shift_right_logical3A_1113 = arith.constant 17 : i32
        %shift_right_logical3A_1114 = vector.broadcast %shift_right_logical3A_1113 : i32 to vector<16xi32>
        %shift_right_logical3A_1115 = arith.shrui %xor3A_1108, %shift_right_logical3A_1114 : vector<16xi32>
        %or3A_1116 = arith.ori %shift_left3A_1112, %shift_right_logical3A_1115 : vector<16xi32>
        %xor3A_1117 = arith.xori %or3A_1116, %add3A_1109 : vector<16xi32>
        %add3A_1118 = arith.addi %add3A_1109, %xor3A_1117 : vector<16xi32>
        %shift_left3A_1119 = arith.constant 26 : i32
        %shift_left3A_1120 = vector.broadcast %shift_left3A_1119 : i32 to vector<16xi32>
        %shift_left3A_1121 = arith.shli %xor3A_1117, %shift_left3A_1120 : vector<16xi32>
        %shift_right_logical3A_1122 = arith.constant 6 : i32
        %shift_right_logical3A_1123 = vector.broadcast %shift_right_logical3A_1122 : i32 to vector<16xi32>
        %shift_right_logical3A_1124 = arith.shrui %xor3A_1117, %shift_right_logical3A_1123 : vector<16xi32>
        %or3A_1125 = arith.ori %shift_left3A_1121, %shift_right_logical3A_1124 : vector<16xi32>
        %xor3A_1126 = arith.xori %or3A_1125, %add3A_1118 : vector<16xi32>
        %add3A_1127 = arith.addi %add3A_1118, %xor3A_1126 : vector<16xi32>
        %shift_left3A_1128 = arith.constant 6 : i32
        %shift_left3A_1129 = vector.broadcast %shift_left3A_1128 : i32 to vector<16xi32>
        %shift_left3A_1130 = arith.shli %xor3A_1126, %shift_left3A_1129 : vector<16xi32>
        %shift_right_logical3A_1131 = arith.constant 26 : i32
        %shift_right_logical3A_1132 = vector.broadcast %shift_right_logical3A_1131 : i32 to vector<16xi32>
        %shift_right_logical3A_1133 = arith.shrui %xor3A_1126, %shift_right_logical3A_1132 : vector<16xi32>
        %or3A_1134 = arith.ori %shift_left3A_1130, %shift_right_logical3A_1133 : vector<16xi32>
        %xor3A_1135 = arith.xori %or3A_1134, %add3A_1127 : vector<16xi32>
        %add3A_1136 = arith.addi %add3A_1127, %xor3A_933 : vector<16xi32>
        %add3A_1137 = arith.addi %xor3A_1135, %add3A_426 : vector<16xi32>
        %add3A_1138 = arith.constant 5 : i32
        %add3A_1139 = vector.broadcast %add3A_1138 : i32 to vector<16xi32>
        %add3A_1140 = arith.addi %add3A_1137, %add3A_1139 : vector<16xi32>
        %xor3A_1141 = arith.xori %add3A_1136, %add3A_1140 : vector<16xi32>
        %shift_right_logical3A_1142 = arith.constant 9 : i32
        %shift_right_logical3A_1143 = vector.broadcast %shift_right_logical3A_1142 : i32 to vector<16xi32>
        %shift_right_logical3A_1144 = arith.shrui %xor3A_1141, %shift_right_logical3A_1143 : vector<16xi32>
        %or3A_1145 = arith.constant 1065353216 : i32
        %or3A_1146 = vector.broadcast %or3A_1145 : i32 to vector<16xi32>
        %or3A_1147 = arith.ori %shift_right_logical3A_1144, %or3A_1146 : vector<16xi32>
        %bitcast_convert_type3A = tpu.bitcast %or3A_1147 : vector<16xi32> -> vector<16xf32>
        %sub3A = arith.constant 1.000000e+00 : f32
        %sub3A_1148 = vector.broadcast %sub3A : f32 to vector<16xf32>
        %sub3A_1149 = arith.subf %bitcast_convert_type3A, %sub3A_1148 : vector<16xf32>
        %mul3A_1150 = arith.constant 2.000000e+00 : f32
        %mul3A_1151 = vector.broadcast %mul3A_1150 : f32 to vector<16xf32>
        %mul3A_1152 = arith.mulf %sub3A_1149, %mul3A_1151 : vector<16xf32>
        %add3A_1153 = arith.constant -1.000000e+00 : f32
        %add3A_1154 = vector.broadcast %add3A_1153 : f32 to vector<16xf32>
        %add3A_1155 = arith.addf %mul3A_1152, %add3A_1154 : vector<16xf32>
        %max3A = arith.constant -1.000000e+00 : f32
        %max3A_1156 = vector.broadcast %max3A : f32 to vector<16xf32>
        %max3A_1157 = arith.maximumf %max3A_1156, %add3A_1155 : vector<16xf32>
        %jit3A_1158 = arith.constant 8 : i32
        %div3A = arith.divsi %while3A_922, %jit3A_1158 : i32
        %sign3A = arith.constant 0 : i32
        %sign3A_1159 = arith.cmpi sgt, %while3A_922, %sign3A : i32
        %sign3A_1160 = arith.extui %sign3A_1159 : i1 to i32
        %sign3A_1161 = arith.constant 0 : i32
        %sign3A_1162 = arith.cmpi slt, %while3A_922, %sign3A_1161 : i32
        %sign3A_1163 = arith.extui %sign3A_1162 : i1 to i32
        %sign3A_1164 = arith.subi %sign3A_1160, %sign3A_1163 : i32
        %sign3A_1165 = arith.constant 0 : i32
        %sign3A_1166 = arith.cmpi sgt, %jit3A_1158, %sign3A_1165 : i32
        %sign3A_1167 = arith.extui %sign3A_1166 : i1 to i32
        %sign3A_1168 = arith.constant 0 : i32
        %sign3A_1169 = arith.cmpi slt, %jit3A_1158, %sign3A_1168 : i32
        %sign3A_1170 = arith.extui %sign3A_1169 : i1 to i32
        %sign3A_1171 = arith.subi %sign3A_1167, %sign3A_1170 : i32
        %ne3A = arith.cmpi ne, %sign3A_1164, %sign3A_1171 : i32
        %rem3A = arith.remsi %while3A_922, %jit3A_1158 : i32
        %ne3A_1172 = arith.constant 0 : i32
        %ne3A_1173 = arith.cmpi ne, %rem3A, %ne3A_1172 : i32
        %and3A = arith.andi %ne3A, %ne3A_1173 : i1
        %sub3A_1174 = arith.constant 1 : i32
        %sub3A_1175 = arith.subi %div3A, %sub3A_1174 : i32
        %select_n3A_1176 = arith.select %and3A, %sub3A_1175, %div3A : i32
        %jit3A_1177 = arith.constant 8 : i32
        %eq3A_1178 = arith.constant 0 : i32
        %eq3A_1179 = arith.cmpi eq, %jit3A_1177, %eq3A_1178 : i32
        %jit3A_1180 = arith.constant 1 : i32
        %select_n3A_1181 = arith.select %eq3A_1179, %jit3A_1180, %jit3A_1177 : i32
        %rem3A_1182 = arith.remsi %while3A_922, %select_n3A_1181 : i32
        %ne3A_1183 = arith.constant 0 : i32
        %ne3A_1184 = arith.cmpi ne, %rem3A_1182, %ne3A_1183 : i32
        %lt3A_1185 = arith.constant 0 : i32
        %lt3A_1186 = arith.cmpi slt, %rem3A_1182, %lt3A_1185 : i32
        %lt3A_1187 = arith.constant 0 : i32
        %lt3A_1188 = arith.cmpi slt, %select_n3A_1181, %lt3A_1187 : i32
        %ne3A_1189 = arith.xori %lt3A_1186, %lt3A_1188 : i1
        %and3A_1190 = arith.andi %ne3A_1189, %ne3A_1184 : i1
        %add3A_1191 = arith.addi %rem3A_1182, %select_n3A_1181 : i32
        %select_n3A_1192 = arith.select %and3A_1190, %add3A_1191, %rem3A_1182 : i32
        %mul3A_1193 = arith.constant 16 : i32
        %mul3A_1194 = arith.muli %select_n3A_1192, %mul3A_1193 : i32
        %swap3A = arith.index_cast %select_n3A_1176 : i32 to index
        %swap3A_1195 = arith.index_cast %mul3A_1194 : i32 to index
        %swap3A_1196 = tpu.vector_load %arg7[%swap3A, %swap3A_1195] {strides = array<i32>} : memref<8x128xf32, #tpu.memory_space<vmem>>, vector<1x16xf32>,
        %swap3A_1197 = vector.shape_cast %swap3A_1196 : vector<1x16xf32> to vector<16xf32>
        %swap3A_1198 = vector.shape_cast %max3A_1157 : vector<16xf32> to vector<1x16xf32>
        tpu.vector_store %arg7[%swap3A, %swap3A_1195], %swap3A_1198 {strides = array<i32>} : memref<8x128xf32, #tpu.memory_space<vmem>>, vector<1x16xf32>,
      }
      %while3A_913 = arith.constant 1 : i32
      scf.for %while3A_922 = %while3A_911 to %while3A_907 step %while3A_913  : i32 {
        %mul3A_923 = arith.constant 128 : i32
        %mul3A_924 = arith.muli %select_n3A_899, %mul3A_923 : i32
        %mul3A_925 = arith.constant 16 : i32
        %mul3A_926 = arith.muli %while3A_922, %mul3A_925 : i32
        %add3A_927 = arith.addi %mul3A_924, %mul3A_926 : i32
        %add3A_928 = vector.broadcast %add3A_927 : i32 to vector<16xi32>
        %add3A_929 = arith.addi %add3A_928, %iota3A : vector<16xi32>
        %xor3A_930 = arith.xori %add3A_426, %add3A_430 : vector<16xi32>
        %xor3A_931 = arith.constant 466688986 : i32
        %xor3A_932 = vector.broadcast %xor3A_931 : i32 to vector<16xi32>
        %xor3A_933 = arith.xori %xor3A_930, %xor3A_932 : vector<16xi32>
        %add3A_934 = arith.addi %broadcast_in_dim3A_1, %add3A_426 : vector<16xi32>
        %add3A_935 = arith.addi %add3A_929, %add3A_430 : vector<16xi32>
        %add3A_936 = arith.addi %add3A_934, %add3A_935 : vector<16xi32>
        %shift_left3A_937 = arith.constant 13 : i32
        %shift_left3A_938 = vector.broadcast %shift_left3A_937 : i32 to vector<16xi32>
        %shift_left3A_939 = arith.shli %add3A_935, %shift_left3A_938 : vector<16xi32>
        %shift_right_logical3A_940 = arith.constant 19 : i32
        %shift_right_logical3A_941 = vector.broadcast %shift_right_logical3A_940 : i32 to vector<16xi32>
        %shift_right_logical3A_942 = arith.shrui %add3A_935, %shift_right_logical3A_941 : vector<16xi32>
        %or3A_943 = arith.ori %shift_left3A_939, %shift_right_logical3A_942 : vector<16xi32>
        %xor3A_944 = arith.xori %or3A_943, %add3A_936 : vector<16xi32>
        %add3A_945 = arith.addi %add3A_936, %xor3A_944 : vector<16xi32>
        %shift_left3A_946 = arith.constant 15 : i32
        %shift_left3A_947 = vector.broadcast %shift_left3A_946 : i32 to vector<16xi32>
        %shift_left3A_948 = arith.shli %xor3A_944, %shift_left3A_947 : vector<16xi32>
        %shift_right_logical3A_949 = arith.constant 17 : i32
        %shift_right_logical3A_950 = vector.broadcast %shift_right_logical3A_949 : i32 to vector<16xi32>
        %shift_right_logical3A_951 = arith.shrui %xor3A_944, %shift_right_logical3A_950 : vector<16xi32>
        %or3A_952 = arith.ori %shift_left3A_948, %shift_right_logical3A_951 : vector<16xi32>
        %xor3A_953 = arith.xori %or3A_952, %add3A_945 : vector<16xi32>
        %add3A_954 = arith.addi %add3A_945, %xor3A_953 : vector<16xi32>
        %shift_left3A_955 = arith.constant 26 : i32
        %shift_left3A_956 = vector.broadcast %shift_left3A_955 : i32 to vector<16xi32>
        %shift_left3A_957 = arith.shli %xor3A_953, %shift_left3A_956 : vector<16xi32>
        %shift_right_logical3A_958 = arith.constant 6 : i32
        %shift_right_logical3A_959 = vector.broadcast %shift_right_logical3A_958 : i32 to vector<16xi32>
        %shift_right_logical3A_960 = arith.shrui %xor3A_953, %shift_right_logical3A_959 : vector<16xi32>
        %or3A_961 = arith.ori %shift_left3A_957, %shift_right_logical3A_960 : vector<16xi32>
        %xor3A_962 = arith.xori %or3A_961, %add3A_954 : vector<16xi32>
        %add3A_963 = arith.addi %add3A_954, %xor3A_962 : vector<16xi32>
        %shift_left3A_964 = arith.constant 6 : i32
        %shift_left3A_965 = vector.broadcast %shift_left3A_964 : i32 to vector<16xi32>
        %shift_left3A_966 = arith.shli %xor3A_962, %shift_left3A_965 : vector<16xi32>
        %shift_right_logical3A_967 = arith.constant 26 : i32
        %shift_right_logical3A_968 = vector.broadcast %shift_right_logical3A_967 : i32 to vector<16xi32>
        %shift_right_logical3A_969 = arith.shrui %xor3A_962, %shift_right_logical3A_968 : vector<16xi32>
        %or3A_970 = arith.ori %shift_left3A_966, %shift_right_logical3A_969 : vector<16xi32>
        %xor3A_971 = arith.xori %or3A_970, %add3A_963 : vector<16xi32>
        %add3A_972 = arith.addi %add3A_963, %add3A_430 : vector<16xi32>
        %add3A_973 = arith.addi %xor3A_971, %xor3A_933 : vector<16xi32>
        %add3A_974 = arith.constant 1 : i32
        %add3A_975 = vector.broadcast %add3A_974 : i32 to vector<16xi32>
        %add3A_976 = arith.addi %add3A_973, %add3A_975 : vector<16xi32>
        %add3A_977 = arith.addi %add3A_972, %add3A_976 : vector<16xi32>
        %shift_left3A_978 = arith.constant 17 : i32
        %shift_left3A_979 = vector.broadcast %shift_left3A_978 : i32 to vector<16xi32>
        %shift_left3A_980 = arith.shli %add3A_976, %shift_left3A_979 : vector<16xi32>
        %shift_right_logical3A_981 = arith.constant 15 : i32
        %shift_right_logical3A_982 = vector.broadcast %shift_right_logical3A_981 : i32 to vector<16xi32>
        %shift_right_logical3A_983 = arith.shrui %add3A_976, %shift_right_logical3A_982 : vector<16xi32>
        %or3A_984 = arith.ori %shift_left3A_980, %shift_right_logical3A_983 : vector<16xi32>
        %xor3A_985 = arith.xori %or3A_984, %add3A_977 : vector<16xi32>
        %add3A_986 = arith.addi %add3A_977, %xor3A_985 : vector<16xi32>
        %shift_left3A_987 = arith.constant 29 : i32
        %shift_left3A_988 = vector.broadcast %shift_left3A_987 : i32 to vector<16xi32>
        %shift_left3A_989 = arith.shli %xor3A_985, %shift_left3A_988 : vector<16xi32>
        %shift_right_logical3A_990 = arith.constant 3 : i32
        %shift_right_logical3A_991 = vector.broadcast %shift_right_logical3A_990 : i32 to vector<16xi32>
        %shift_right_logical3A_992 = arith.shrui %xor3A_985, %shift_right_logical3A_991 : vector<16xi32>
        %or3A_993 = arith.ori %shift_left3A_989, %shift_right_logical3A_992 : vector<16xi32>
        %xor3A_994 = arith.xori %or3A_993, %add3A_986 : vector<16xi32>
        %add3A_995 = arith.addi %add3A_986, %xor3A_994 : vector<16xi32>
        %shift_left3A_996 = arith.constant 16 : i32
        %shift_left3A_997 = vector.broadcast %shift_left3A_996 : i32 to vector<16xi32>
        %shift_left3A_998 = arith.shli %xor3A_994, %shift_left3A_997 : vector<16xi32>
        %shift_right_logical3A_999 = arith.constant 16 : i32
        %shift_right_logical3A_1000 = vector.broadcast %shift_right_logical3A_999 : i32 to vector<16xi32>
        %shift_right_logical3A_1001 = arith.shrui %xor3A_994, %shift_right_logical3A_1000 : vector<16xi32>
        %or3A_1002 = arith.ori %shift_left3A_998, %shift_right_logical3A_1001 : vector<16xi32>
        %xor3A_1003 = arith.xori %or3A_1002, %add3A_995 : vector<16xi32>
        %add3A_1004 = arith.addi %add3A_995, %xor3A_1003 : vector<16xi32>
        %shift_left3A_1005 = arith.constant 24 : i32
        %shift_left3A_1006 = vector.broadcast %shift_left3A_1005 : i32 to vector<16xi32>
        %shift_left3A_1007 = arith.shli %xor3A_1003, %shift_left3A_1006 : vector<16xi32>
        %shift_right_logical3A_1008 = arith.constant 8 : i32
        %shift_right_logical3A_1009 = vector.broadcast %shift_right_logical3A_1008 : i32 to vector<16xi32>
        %shift_right_logical3A_1010 = arith.shrui %xor3A_1003, %shift_right_logical3A_1009 : vector<16xi32>
        %or3A_1011 = arith.ori %shift_left3A_1007, %shift_right_logical3A_1010 : vector<16xi32>
        %xor3A_1012 = arith.xori %or3A_1011, %add3A_1004 : vector<16xi32>
        %add3A_1013 = arith.addi %add3A_1004, %xor3A_933 : vector<16xi32>
        %add3A_1014 = arith.addi %xor3A_1012, %add3A_426 : vector<16xi32>
        %add3A_1015 = arith.constant 2 : i32
        %add3A_1016 = vector.broadcast %add3A_1015 : i32 to vector<16xi32>
        %add3A_1017 = arith.addi %add3A_1014, %add3A_1016 : vector<16xi32>
        %add3A_1018 = arith.addi %add3A_1013, %add3A_1017 : vector<16xi32>
        %shift_left3A_1019 = arith.constant 13 : i32
        %shift_left3A_1020 = vector.broadcast %shift_left3A_1019 : i32 to vector<16xi32>
        %shift_left3A_1021 = arith.shli %add3A_1017, %shift_left3A_1020 : vector<16xi32>
        %shift_right_logical3A_1022 = arith.constant 19 : i32
        %shift_right_logical3A_1023 = vector.broadcast %shift_right_logical3A_1022 : i32 to vector<16xi32>
        %shift_right_logical3A_1024 = arith.shrui %add3A_1017, %shift_right_logical3A_1023 : vector<16xi32>
        %or3A_1025 = arith.ori %shift_left3A_1021, %shift_right_logical3A_1024 : vector<16xi32>
        %xor3A_1026 = arith.xori %or3A_1025, %add3A_1018 : vector<16xi32>
        %add3A_1027 = arith.addi %add3A_1018, %xor3A_1026 : vector<16xi32>
        %shift_left3A_1028 = arith.constant 15 : i32
        %shift_left3A_1029 = vector.broadcast %shift_left3A_1028 : i32 to vector<16xi32>
        %shift_left3A_1030 = arith.shli %xor3A_1026, %shift_left3A_1029 : vector<16xi32>
        %shift_right_logical3A_1031 = arith.constant 17 : i32
        %shift_right_logical3A_1032 = vector.broadcast %shift_right_logical3A_1031 : i32 to vector<16xi32>
        %shift_right_logical3A_1033 = arith.shrui %xor3A_1026, %shift_right_logical3A_1032 : vector<16xi32>
        %or3A_1034 = arith.ori %shift_left3A_1030, %shift_right_logical3A_1033 : vector<16xi32>
        %xor3A_1035 = arith.xori %or3A_1034, %add3A_1027 : vector<16xi32>
        %add3A_1036 = arith.addi %add3A_1027, %xor3A_1035 : vector<16xi32>
        %shift_left3A_1037 = arith.constant 26 : i32
        %shift_left3A_1038 = vector.broadcast %shift_left3A_1037 : i32 to vector<16xi32>
        %shift_left3A_1039 = arith.shli %xor3A_1035, %shift_left3A_1038 : vector<16xi32>
        %shift_right_logical3A_1040 = arith.constant 6 : i32
        %shift_right_logical3A_1041 = vector.broadcast %shift_right_logical3A_1040 : i32 to vector<16xi32>
        %shift_right_logical3A_1042 = arith.shrui %xor3A_1035, %shift_right_logical3A_1041 : vector<16xi32>
        %or3A_1043 = arith.ori %shift_left3A_1039, %shift_right_logical3A_1042 : vector<16xi32>
        %xor3A_1044 = arith.xori %or3A_1043, %add3A_1036 : vector<16xi32>
        %add3A_1045 = arith.addi %add3A_1036, %xor3A_1044 : vector<16xi32>
        %shift_left3A_1046 = arith.constant 6 : i32
        %shift_left3A_1047 = vector.broadcast %shift_left3A_1046 : i32 to vector<16xi32>
        %shift_left3A_1048 = arith.shli %xor3A_1044, %shift_left3A_1047 : vector<16xi32>
        %shift_right_logical3A_1049 = arith.constant 26 : i32
        %shift_right_logical3A_1050 = vector.broadcast %shift_right_logical3A_1049 : i32 to vector<16xi32>
        %shift_right_logical3A_1051 = arith.shrui %xor3A_1044, %shift_right_logical3A_1050 : vector<16xi32>
        %or3A_1052 = arith.ori %shift_left3A_1048, %shift_right_logical3A_1051 : vector<16xi32>
        %xor3A_1053 = arith.xori %or3A_1052, %add3A_1045 : vector<16xi32>
        %add3A_1054 = arith.addi %add3A_1045, %add3A_426 : vector<16xi32>
        %add3A_1055 = arith.addi %xor3A_1053, %add3A_430 : vector<16xi32>
        %add3A_1056 = arith.constant 3 : i32
        %add3A_1057 = vector.broadcast %add3A_1056 : i32 to vector<16xi32>
        %add3A_1058 = arith.addi %add3A_1055, %add3A_1057 : vector<16xi32>
        %add3A_1059 = arith.addi %add3A_1054, %add3A_1058 : vector<16xi32>
        %shift_left3A_1060 = arith.constant 17 : i32
        %shift_left3A_1061 = vector.broadcast %shift_left3A_1060 : i32 to vector<16xi32>
        %shift_left3A_1062 = arith.shli %add3A_1058, %shift_left3A_1061 : vector<16xi32>
        %shift_right_logical3A_1063 = arith.constant 15 : i32
        %shift_right_logical3A_1064 = vector.broadcast %shift_right_logical3A_1063 : i32 to vector<16xi32>
        %shift_right_logical3A_1065 = arith.shrui %add3A_1058, %shift_right_logical3A_1064 : vector<16xi32>
        %or3A_1066 = arith.ori %shift_left3A_1062, %shift_right_logical3A_1065 : vector<16xi32>
        %xor3A_1067 = arith.xori %or3A_1066, %add3A_1059 : vector<16xi32>
        %add3A_1068 = arith.addi %add3A_1059, %xor3A_1067 : vector<16xi32>
        %shift_left3A_1069 = arith.constant 29 : i32
        %shift_left3A_1070 = vector.broadcast %shift_left3A_1069 : i32 to vector<16xi32>
        %shift_left3A_1071 = arith.shli %xor3A_1067, %shift_left3A_1070 : vector<16xi32>
        %shift_right_logical3A_1072 = arith.constant 3 : i32
        %shift_right_logical3A_1073 = vector.broadcast %shift_right_logical3A_1072 : i32 to vector<16xi32>
        %shift_right_logical3A_1074 = arith.shrui %xor3A_1067, %shift_right_logical3A_1073 : vector<16xi32>
        %or3A_1075 = arith.ori %shift_left3A_1071, %shift_right_logical3A_1074 : vector<16xi32>
        %xor3A_1076 = arith.xori %or3A_1075, %add3A_1068 : vector<16xi32>
        %add3A_1077 = arith.addi %add3A_1068, %xor3A_1076 : vector<16xi32>
        %shift_left3A_1078 = arith.constant 16 : i32
        %shift_left3A_1079 = vector.broadcast %shift_left3A_1078 : i32 to vector<16xi32>
        %shift_left3A_1080 = arith.shli %xor3A_1076, %shift_left3A_1079 : vector<16xi32>
        %shift_right_logical3A_1081 = arith.constant 16 : i32
        %shift_right_logical3A_1082 = vector.broadcast %shift_right_logical3A_1081 : i32 to vector<16xi32>
        %shift_right_logical3A_1083 = arith.shrui %xor3A_1076, %shift_right_logical3A_1082 : vector<16xi32>
        %or3A_1084 = arith.ori %shift_left3A_1080, %shift_right_logical3A_1083 : vector<16xi32>
        %xor3A_1085 = arith.xori %or3A_1084, %add3A_1077 : vector<16xi32>
        %add3A_1086 = arith.addi %add3A_1077, %xor3A_1085 : vector<16xi32>
        %shift_left3A_1087 = arith.constant 24 : i32
        %shift_left3A_1088 = vector.broadcast %shift_left3A_1087 : i32 to vector<16xi32>
        %shift_left3A_1089 = arith.shli %xor3A_1085, %shift_left3A_1088 : vector<16xi32>
        %shift_right_logical3A_1090 = arith.constant 8 : i32
        %shift_right_logical3A_1091 = vector.broadcast %shift_right_logical3A_1090 : i32 to vector<16xi32>
        %shift_right_logical3A_1092 = arith.shrui %xor3A_1085, %shift_right_logical3A_1091 : vector<16xi32>
        %or3A_1093 = arith.ori %shift_left3A_1089, %shift_right_logical3A_1092 : vector<16xi32>
        %xor3A_1094 = arith.xori %or3A_1093, %add3A_1086 : vector<16xi32>
        %add3A_1095 = arith.addi %add3A_1086, %add3A_430 : vector<16xi32>
        %add3A_1096 = arith.addi %xor3A_1094, %xor3A_933 : vector<16xi32>
        %add3A_1097 = arith.constant 4 : i32
        %add3A_1098 = vector.broadcast %add3A_1097 : i32 to vector<16xi32>
        %add3A_1099 = arith.addi %add3A_1096, %add3A_1098 : vector<16xi32>
        %add3A_1100 = arith.addi %add3A_1095, %add3A_1099 : vector<16xi32>
        %shift_left3A_1101 = arith.constant 13 : i32
        %shift_left3A_1102 = vector.broadcast %shift_left3A_1101 : i32 to vector<16xi32>
        %shift_left3A_1103 = arith.shli %add3A_1099, %shift_left3A_1102 : vector<16xi32>
        %shift_right_logical3A_1104 = arith.constant 19 : i32
        %shift_right_logical3A_1105 = vector.broadcast %shift_right_logical3A_1104 : i32 to vector<16xi32>
        %shift_right_logical3A_1106 = arith.shrui %add3A_1099, %shift_right_logical3A_1105 : vector<16xi32>
        %or3A_1107 = arith.ori %shift_left3A_1103, %shift_right_logical3A_1106 : vector<16xi32>
        %xor3A_1108 = arith.xori %or3A_1107, %add3A_1100 : vector<16xi32>
        %add3A_1109 = arith.addi %add3A_1100, %xor3A_1108 : vector<16xi32>
        %shift_left3A_1110 = arith.constant 15 : i32
        %shift_left3A_1111 = vector.broadcast %shift_left3A_1110 : i32 to vector<16xi32>
        %shift_left3A_1112 = arith.shli %xor3A_1108, %shift_left3A_1111 : vector<16xi32>
        %shift_right_logical3A_1113 = arith.constant 17 : i32
        %shift_right_logical3A_1114 = vector.broadcast %shift_right_logical3A_1113 : i32 to vector<16xi32>
        %shift_right_logical3A_1115 = arith.shrui %xor3A_1108, %shift_right_logical3A_1114 : vector<16xi32>
        %or3A_1116 = arith.ori %shift_left3A_1112, %shift_right_logical3A_1115 : vector<16xi32>
        %xor3A_1117 = arith.xori %or3A_1116, %add3A_1109 : vector<16xi32>
        %add3A_1118 = arith.addi %add3A_1109, %xor3A_1117 : vector<16xi32>
        %shift_left3A_1119 = arith.constant 26 : i32
        %shift_left3A_1120 = vector.broadcast %shift_left3A_1119 : i32 to vector<16xi32>
        %shift_left3A_1121 = arith.shli %xor3A_1117, %shift_left3A_1120 : vector<16xi32>
        %shift_right_logical3A_1122 = arith.constant 6 : i32
        %shift_right_logical3A_1123 = vector.broadcast %shift_right_logical3A_1122 : i32 to vector<16xi32>
        %shift_right_logical3A_1124 = arith.shrui %xor3A_1117, %shift_right_logical3A_1123 : vector<16xi32>
        %or3A_1125 = arith.ori %shift_left3A_1121, %shift_right_logical3A_1124 : vector<16xi32>
        %xor3A_1126 = arith.xori %or3A_1125, %add3A_1118 : vector<16xi32>
        %add3A_1127 = arith.addi %add3A_1118, %xor3A_1126 : vector<16xi32>
        %shift_left3A_1128 = arith.constant 6 : i32
        %shift_left3A_1129 = vector.broadcast %shift_left3A_1128 : i32 to vector<16xi32>
        %shift_left3A_1130 = arith.shli %xor3A_1126, %shift_left3A_1129 : vector<16xi32>
        %shift_right_logical3A_1131 = arith.constant 26 : i32
        %shift_right_logical3A_1132 = vector.broadcast %shift_right_logical3A_1131 : i32 to vector<16xi32>
        %shift_right_logical3A_1133 = arith.shrui %xor3A_1126, %shift_right_logical3A_1132 : vector<16xi32>
        %or3A_1134 = arith.ori %shift_left3A_1130, %shift_right_logical3A_1133 : vector<16xi32>
        %xor3A_1135 = arith.xori %or3A_1134, %add3A_1127 : vector<16xi32>
        %add3A_1136 = arith.addi %add3A_1127, %xor3A_933 : vector<16xi32>
        %add3A_1137 = arith.addi %xor3A_1135, %add3A_426 : vector<16xi32>
        %add3A_1138 = arith.constant 5 : i32
        %add3A_1139 = vector.broadcast %add3A_1138 : i32 to vector<16xi32>
        %add3A_1140 = arith.addi %add3A_1137, %add3A_1139 : vector<16xi32>
        %xor3A_1141 = arith.xori %add3A_1136, %add3A_1140 : vector<16xi32>
        %shift_right_logical3A_1142 = arith.constant 9 : i32
        %shift_right_logical3A_1143 = vector.broadcast %shift_right_logical3A_1142 : i32 to vector<16xi32>
        %shift_right_logical3A_1144 = arith.shrui %xor3A_1141, %shift_right_logical3A_1143 : vector<16xi32>
        %or3A_1145 = arith.constant 1065353216 : i32
        %or3A_1146 = vector.broadcast %or3A_1145 : i32 to vector<16xi32>
        %or3A_1147 = arith.ori %shift_right_logical3A_1144, %or3A_1146 : vector<16xi32>
        %bitcast_convert_type3A = tpu.bitcast %or3A_1147 : vector<16xi32> -> vector<16xf32>
        %sub3A = arith.constant 1.000000e+00 : f32
        %sub3A_1148 = vector.broadcast %sub3A : f32 to vector<16xf32>
        %sub3A_1149 = arith.subf %bitcast_convert_type3A, %sub3A_1148 : vector<16xf32>
        %mul3A_1150 = arith.constant 2.000000e+00 : f32
        %mul3A_1151 = vector.broadcast %mul3A_1150 : f32 to vector<16xf32>
        %mul3A_1152 = arith.mulf %sub3A_1149, %mul3A_1151 : vector<16xf32>
        %add3A_1153 = arith.constant -1.000000e+00 : f32
        %add3A_1154 = vector.broadcast %add3A_1153 : f32 to vector<16xf32>
        %add3A_1155 = arith.addf %mul3A_1152, %add3A_1154 : vector<16xf32>
        %max3A = arith.constant -1.000000e+00 : f32
        %max3A_1156 = vector.broadcast %max3A : f32 to vector<16xf32>
        %max3A_1157 = arith.maximumf %max3A_1156, %add3A_1155 : vector<16xf32>
        %jit3A_1158 = arith.constant 8 : i32
        %div3A = arith.divsi %while3A_922, %jit3A_1158 : i32
        %sign3A = arith.constant 0 : i32
        %sign3A_1159 = arith.cmpi sgt, %while3A_922, %sign3A : i32
        %sign3A_1160 = arith.extui %sign3A_1159 : i1 to i32
        %sign3A_1161 = arith.constant 0 : i32
        %sign3A_1162 = arith.cmpi slt, %while3A_922, %sign3A_1161 : i32
        %sign3A_1163 = arith.extui %sign3A_1162 : i1 to i32
        %sign3A_1164 = arith.subi %sign3A_1160, %sign3A_1163 : i32
        %sign3A_1165 = arith.constant 0 : i32
        %sign3A_1166 = arith.cmpi sgt, %jit3A_1158, %sign3A_1165 : i32
        %sign3A_1167 = arith.extui %sign3A_1166 : i1 to i32
        %sign3A_1168 = arith.constant 0 : i32
        %sign3A_1169 = arith.cmpi slt, %jit3A_1158, %sign3A_1168 : i32
        %sign3A_1170 = arith.extui %sign3A_1169 : i1 to i32
        %sign3A_1171 = arith.subi %sign3A_1167, %sign3A_1170 : i32
        %ne3A = arith.cmpi ne, %sign3A_1164, %sign3A_1171 : i32
        %rem3A = arith.remsi %while3A_922, %jit3A_1158 : i32
        %ne3A_1172 = arith.constant 0 : i32
        %ne3A_1173 = arith.cmpi ne, %rem3A, %ne3A_1172 : i32
        %and3A = arith.andi %ne3A, %ne3A_1173 : i1
        %sub3A_1174 = arith.constant 1 : i32
        %sub3A_1175 = arith.subi %div3A, %sub3A_1174 : i32
        %select_n3A_1176 = arith.select %and3A, %sub3A_1175, %div3A : i32
        %jit3A_1177 = arith.constant 8 : i32
        %eq3A_1178 = arith.constant 0 : i32
        %eq3A_1179 = arith.cmpi eq, %jit3A_1177, %eq3A_1178 : i32
        %jit3A_1180 = arith.constant 1 : i32
        %select_n3A_1181 = arith.select %eq3A_1179, %jit3A_1180, %jit3A_1177 : i32
        %rem3A_1182 = arith.remsi %while3A_922, %select_n3A_1181 : i32
        %ne3A_1183 = arith.constant 0 : i32
        %ne3A_1184 = arith.cmpi ne, %rem3A_1182, %ne3A_1183 : i32
        %lt3A_1185 = arith.constant 0 : i32
        %lt3A_1186 = arith.cmpi slt, %rem3A_1182, %lt3A_1185 : i32
        %lt3A_1187 = arith.constant 0 : i32
        %lt3A_1188 = arith.cmpi slt, %select_n3A_1181, %lt3A_1187 : i32
        %ne3A_1189 = arith.xori %lt3A_1186, %lt3A_1188 : i1
        %and3A_1190 = arith.andi %ne3A_1189, %ne3A_1184 : i1
        %add3A_1191 = arith.addi %rem3A_1182, %select_n3A_1181 : i32
        %select_n3A_1192 = arith.select %and3A_1190, %add3A_1191, %rem3A_1182 : i32
        %mul3A_1193 = arith.constant 16 : i32
        %mul3A_1194 = arith.muli %select_n3A_1192, %mul3A_1193 : i32
        %swap3A = arith.index_cast %select_n3A_1176 : i32 to index
        %swap3A_1195 = arith.index_cast %mul3A_1194 : i32 to index
        %swap3A_1196 = tpu.vector_load %arg7[%swap3A, %swap3A_1195] {strides = array<i32>} : memref<8x128xf32, #tpu.memory_space<vmem>>, vector<1x16xf32>,
        %swap3A_1197 = vector.shape_cast %swap3A_1196 : vector<1x16xf32> to vector<16xf32>
        %swap3A_1198 = vector.shape_cast %max3A_1157 : vector<16xf32> to vector<1x16xf32>
        tpu.vector_store %arg7[%swap3A, %swap3A_1195], %swap3A_1198 {strides = array<i32>} : memref<8x128xf32, #tpu.memory_space<vmem>>, vector<1x16xf32>,
      }
      %eq3A_914 = arith.constant 31 : i32
      %eq3A_915 = arith.cmpi eq, %add3A, %eq3A_914 : i32
      %convert_element_type3A_916 = arith.extui %eq3A_915 : i1 to i32
      %cond3A_917 = arith.constant 0 : i32
      %cond3A_918 = arith.cmpi ne, %convert_element_type3A_916, %cond3A_917 : i32
      scf.if %cond3A_918 {
        %dma_wait3A = arith.constant 4 : i32
        %dma_wait3A_922 = arith.constant 0 : i32
        %dma_wait3A_923 = tpu.memref_slice %arg7[%dma_wait3A, %dma_wait3A_922] : memref<8x128xf32, #tpu.memory_space<vmem>> -> memref<4x128xf32, #tpu.memory_space<vmem>>
        %dma_wait3A_924 = arith.constant 0 : i32
        %dma_wait3A_925 = tpu.memref_slice %arg6[%dma_wait3A_924] : memref<128xi32, #tpu.memory_space<vmem>> -> memref<4xi32, #tpu.memory_space<vmem>>
        %dma_wait3A_926 = arith.constant 0 : i32
        %dma_wait3A_927 = arith.constant 0 : i32
        %dma_wait3A_928 = tpu.memref_slice %arg2[%dma_wait3A_926, %dma_wait3A_927] : memref<100000x128xf32, #tpu.memory_space<hbm>> -> memref<100000x128xf32, #tpu.memory_space<hbm>>
        tpu.wait_indirect_dma semaphore(%arg9 : memref<!tpu.dma_semaphore, #tpu.memory_space<semaphore_mem>>) src(%dma_wait3A_928 : memref<100000x128xf32, #tpu.memory_space<hbm>>) dst(%dma_wait3A_923 : memref<4x128xf32, #tpu.memory_space<vmem>>)
      } else {
      }
      %multiple_of3A = tpu.assume_multiple %select_n3A_899, 8 : i32
      %dma_start3A = arith.constant 0 : i32
      %dma_start3A_919 = tpu.memref_slice %arg4[%multiple_of3A, %dma_start3A] : memref<4096x128xf32, #tpu.memory_space<hbm>> -> memref<8x128xf32, #tpu.memory_space<hbm>>
      %dma_start3A_920 = arith.constant 0 : i32
      %dma_start3A_921 = tpu.memref_slice %arg4[%multiple_of3A, %dma_start3A_920] : memref<4096x128xf32, #tpu.memory_space<hbm>> -> memref<8x128xf32, #tpu.memory_space<hbm>>
      tpu.enqueue_dma source(%arg7 : memref<8x128xf32, #tpu.memory_space<vmem>>) target(%dma_start3A_921 : memref<8x128xf32, #tpu.memory_space<hbm>>) target_semaphore(%arg10 : memref<!tpu.dma_semaphore, #tpu.memory_space<semaphore_mem>>)
    } else {
    }
    %lt3A_881 = arith.constant 31 : i32
    %lt3A_882 = arith.cmpi slt, %add3A, %lt3A_881 : i32
    %convert_element_type3A_883 = arith.extui %lt3A_882 : i1 to i32
    %cond3A_884 = arith.constant 0 : i32
    %cond3A_885 = arith.cmpi ne, %convert_element_type3A_883, %cond3A_884 : i32
    scf.if %cond3A_885 {
      %mul3A_894 = arith.constant 128 : i32
      %mul3A_895 = arith.muli %add3A, %mul3A_894 : i32
      %min3A_896 = arith.constant 3760 : i32
      %min3A_897 = arith.minsi %mul3A_895, %min3A_896 : i32
      %add3A_898 = arith.constant 208 : i32
      %add3A_899 = arith.addi %add3A_898, %min3A_897 : i32
      %dma_wait3A = arith.constant 0 : i32
      %dma_wait3A_900 = arith.constant 0 : i32
      %dma_wait3A_901 = tpu.memref_slice %arg2[%dma_wait3A, %dma_wait3A_900] : memref<100000x128xf32, #tpu.memory_space<hbm>> -> memref<100000x128xf32, #tpu.memory_space<hbm>>
      tpu.wait_indirect_dma semaphore(%arg9 : memref<!tpu.dma_semaphore, #tpu.memory_space<semaphore_mem>>) src(%dma_wait3A_901 : memref<100000x128xf32, #tpu.memory_space<hbm>>) dst(%arg8 : memref<128x128xf32, #tpu.memory_space<vmem>>)
      %multiple_of3A = tpu.assume_multiple %add3A_899, 8 : i32
      "tpu.region"() ({
        %run_scoped3A = tpu.sem_alloc : memref<!tpu.dma_semaphore, #tpu.memory_space<semaphore_mem>>
        %dma_start3A = arith.constant 0 : i32
        %dma_start3A_902 = tpu.memref_slice %arg4[%multiple_of3A, %dma_start3A] : memref<4096x128xf32, #tpu.memory_space<hbm>> -> memref<128x128xf32, #tpu.memory_space<hbm>>
        %dma_start3A_903 = arith.constant 0 : i32
        %dma_start3A_904 = tpu.memref_slice %arg4[%multiple_of3A, %dma_start3A_903] : memref<4096x128xf32, #tpu.memory_space<hbm>> -> memref<128x128xf32, #tpu.memory_space<hbm>>
        tpu.enqueue_dma source(%arg8 : memref<128x128xf32, #tpu.memory_space<vmem>>) target(%dma_start3A_904 : memref<128x128xf32, #tpu.memory_space<hbm>>) target_semaphore(%run_scoped3A : memref<!tpu.dma_semaphore, #tpu.memory_space<semaphore_mem>>)
        %dma_wait3A_905 = arith.constant 0 : i32
        %dma_wait3A_906 = tpu.memref_slice %arg4[%multiple_of3A, %dma_wait3A_905] : memref<4096x128xf32, #tpu.memory_space<hbm>> -> memref<128x128xf32, #tpu.memory_space<hbm>>
        %dma_wait3A_907 = arith.constant 0 : i32
        %dma_wait3A_908 = tpu.memref_slice %arg4[%multiple_of3A, %dma_wait3A_907] : memref<4096x128xf32, #tpu.memory_space<hbm>> -> memref<128x128xf32, #tpu.memory_space<hbm>>
        tpu.wait_dma2 semaphore(%run_scoped3A : memref<!tpu.dma_semaphore, #tpu.memory_space<semaphore_mem>>) src(%arg8 : memref<128x128xf32, #tpu.memory_space<vmem>>) dst(%dma_wait3A_908 : memref<128x128xf32, #tpu.memory_space<hbm>>)
        tpu.yield
      }) : () -> ()
    } else {
    }
    %lt3A_886 = arith.constant 25 : i32
    %lt3A_887 = arith.cmpi slt, %add3A, %lt3A_886 : i32
    %eq3A_888 = arith.constant 31 : i32
    %eq3A_889 = arith.cmpi eq, %add3A, %eq3A_888 : i32
    %or3A_890 = arith.ori %lt3A_887, %eq3A_889 : i1
    %convert_element_type3A_891 = arith.extui %or3A_890 : i1 to i32
    %cond3A_892 = arith.constant 0 : i32
    %cond3A_893 = arith.cmpi ne, %convert_element_type3A_891, %cond3A_892 : i32
    scf.if %cond3A_893 {
      %eq3A_894 = arith.constant 31 : i32
      %eq3A_895 = arith.cmpi eq, %add3A, %eq3A_894 : i32
      %mul3A_896 = arith.constant 8 : i32
      %mul3A_897 = arith.muli %add3A, %mul3A_896 : i32
      %jit3A_898 = arith.constant 200 : i32
      %select_n3A_899 = arith.select %eq3A_895, %jit3A_898, %mul3A_897 : i32
      %multiple_of3A = tpu.assume_multiple %select_n3A_899, 8 : i32
      %dma_wait3A = arith.constant 0 : i32
      %dma_wait3A_900 = tpu.memref_slice %arg4[%multiple_of3A, %dma_wait3A] : memref<4096x128xf32, #tpu.memory_space<hbm>> -> memref<8x128xf32, #tpu.memory_space<hbm>>
      %dma_wait3A_901 = arith.constant 0 : i32
      %dma_wait3A_902 = tpu.memref_slice %arg4[%multiple_of3A, %dma_wait3A_901] : memref<4096x128xf32, #tpu.memory_space<hbm>> -> memref<8x128xf32, #tpu.memory_space<hbm>>
      tpu.wait_dma2 semaphore(%arg10 : memref<!tpu.dma_semaphore, #tpu.memory_space<semaphore_mem>>) src(%arg7 : memref<8x128xf32, #tpu.memory_space<vmem>>) dst(%dma_wait3A_902 : memref<8x128xf32, #tpu.memory_space<hbm>>)
    } else {
    }
    return
  }
}

</mosaic_0001>

<sc_bundles>
// kernel: kernel.3.cloned.1.call-start
scs
__scs_entry_jumppad:
0x0: {  	(pc) =	sbr.rel $0x88, $3  }
0x1: {  	(tag) =	ssettag $0x0;
	lr =	simm.s32 $0x1  }
0x2: {  	[smem:$0x3F9F] =	sst lr;
	_ =	strace $0xD0000000  }
0x3: {  	_ = 	snop  }
0x4: {  	_ = 	snop  }
0x5: {  	_ = 	snop  }
0x6: {  	_ = 	snop  }
0x7: {  	_ = 	snop  }
__scs_overlays_trampoline_lowered:
0x8: {  	[smem:$0x3FAE] =	sst s0  }
0x9: {  	[smem:$0x3FAF] =	sst s1  }
0xa: {  	[smem:$0x3FB0] =	sst s2  }
0xb: {  	[smem:$0x3FB1] =	sst s3  }
0xc: {  	[smem:$0x3FB2] =	sst s4  }
0xd: {  	[smem:$0x3FB3] =	sst s5  }
0xe: {  	[smem:$0x3FB4] =	sst s6  }
0xf: {  	[smem:$0x3FB5] =	sst s7  }
0x10: {  	[smem:$0x3FB6] =	sst s8  }
0x11: {  	[smem:$0x3FB7] =	sst s9;
	s0 =	simm.s32 @!p0 $0x0  }
0x12: {  	s1 =	sld [smem:$0x3F9D];
	s0 =	simm.s32 @p0 $0x1  }
0x13: {  	[smem:$0x3FB8] =	sst s0;
	s0 =	simm.s32 @!p1 $0x0  }
0x14: {  	s2 =	sld [smem:$0x3F9C];
	s0 =	simm.s32 @p1 $0x1  }
0x15: {  	[smem:$0x3FB9] =	sst s0;
	s0 =	simm.s32 @!p2 $0x0  }
0x16: {  	s3 =	sld [smem:$0x3FDB];
	s0 =	simm.s32 @p2 $0x1  }
0x17: {  	s4 =	simm.s32 $0x1BF5;
	[smem:$0x3FBB] =	sst s0  }
0x18: {  	s0 =	sld [smem:$0x3F9E];
	_ =	swait.ge [sflag:s4], $0x0  }
0x19: {  	s7 =	sld [smem:$0x3F9F]  }
0x1a: {  	s8 =	sadd.s32 $0xFFFFE003, lr  }
0x1b: {  	s9 =	sadd.s32 $0xFFFFFEF7, lr;
	s5 =	simm.s32 $0xFFFFFFFF;
	p2 =	slt.u32 s8, $0xFFFFF086  }
0x1c: {  	p1 =	slt.u32 s9, $0xF7A;
	s5 =	simm.s32 @!p2 $0x0  }
0x1d: {  	s5 =	simm.s32 @p1 $0x1;
	p0 =	seq.s32 s7, s2  }
0x1e: {  	s7 =	smul.u32 @!p0 $0xF7A, s2;
	p2 =	seq.s32 @!p0 s5, $0x0  }
0x1f: {  	s9 =	smul.u32 $0xF7A, s1;
	s8 =	simm.s32 @!p0 $0x1BF5;
	p2 =	por !p2, p0  }
0x20: {  	[sflag:s8] =	ssyncset.s32 @!p0 $0xFFFFF086;
	s6 =	sadd.s32 @!p0 s3, s7;
	s7 =	simm.s32 @!p0 $0x108  }
0x21: {  	s3 =	sadd.s32 s3, s9;
	s6 =	sadd.s32 @!p0 $0x88, s6;
	s7 =	simm.s32 @p2 $0x1082  }
0x22: {  	[simem:s7], [sflag:s8] =	dma.local @!p0 [hbm:s6], $0xF7A  }
0x23: {  	s9 =	sor.u32 $0xD0000000, s2;
	s6 =	simm.s32 $0x108;
	_ =	swait.ge @!p0 [sflag:s8], $0x0  }
0x24: {  	s3 =	sadd.s32 $0x88, s3;
	s6 =	simm.s32 @!p1 $0x1082;
	[sflag:s4] =	ssyncset.s32 $0xFFFFF086  }
0x25: {  	[simem:s6], [sflag:s4] =	dma.local [hbm:s3], $0xF7A  }
0x26: {  	[smem:$0x3F9F] =	sst s1;
	(tag) =	ssettag s2;
	_ =	strace s9  }
0x27: {  	s1 =	sld [smem:$0x3FAF]  }
0x28: {  	s2 =	sld [smem:$0x3FB0]  }
0x29: {  	s4 =	sld [smem:$0x3FB2]  }
0x2a: {  	p0 =	seq.s32 s5, $0x0;
	s5 =	sld [smem:$0x3FB3]  }
0x2b: {  	s6 =	sld [smem:$0x3FB4]  }
0x2c: {  	s7 =	sld [smem:$0x3FB5]  }
0x2d: {  	s3 =	simm.s32 $0x108;
	s8 =	sld [smem:$0x3FB6]  }
0x2e: {  	s3 =	simm.s32 @!p0 $0x1082;
	s9 =	sld [smem:$0x3FB7]  }
0x2f: {  	lr =	sadd.s32 s0, s3;
	s0 =	sld [smem:$0x3FAE]  }
0x30: {  	s3 =	sld [smem:$0x3FB1]  }
0x31: {  	[smem:$0x3FBA] =	sst s10  }
0x32: {  	s10 =	sld [smem:$0x3FB8];
	_ =	sdelay $0x3  }
0x33: {  	p0 =	seq.s32 s10, $0x1;
	s10 =	sld [smem:$0x3FBA];
	_ =	sdelay $0x3  }
0x34: {  	[smem:$0x3FBA] =	sst s10  }
0x35: {  	s10 =	sld [smem:$0x3FB9];
	_ =	sdelay $0x3  }
0x36: {  	p1 =	seq.s32 s10, $0x1;
	s10 =	sld [smem:$0x3FBA];
	_ =	sdelay $0x3  }
0x37: {  	[smem:$0x3FBA] =	sst s10  }
0x38: {  	s10 =	sld [smem:$0x3FBB]  }
0x39: {  	_ = 	snop;
	(pc) =	sbr.ind lr, $3  }
0x3a: {  	_ = 	snop  }
0x3b: {  	_ = 	snop  }
0x3c: {  	p2 =	seq.s32 s10, $0x1;
	s10 =	sld [smem:$0x3FBA]  }
0x3d: {  	_ =	shalt  }
0x3e: {  	_ =	shalt  }
0x3f: {  	_ =	shalt  }
0x40: {  	_ =	shalt  }
0x41: {  	_ =	shalt  }
0x42: {  	_ =	shalt  }
0x43: {  	_ =	shalt  }
0x44: {  	_ =	shalt  }
0x45: {  	_ =	shalt  }
0x46: {  	_ =	shalt  }
0x47: {  	_ =	shalt  }
0x48: {  	_ =	shalt  }
0x49: {  	_ =	shalt  }
0x4a: {  	_ =	shalt  }
0x4b: {  	_ =	shalt  }
0x4c: {  	_ =	shalt  }
0x4d: {  	_ =	shalt  }
0x4e: {  	_ =	shalt  }
0x4f: {  	_ =	shalt  }
0x50: {  	_ =	shalt  }
0x51: {  	_ =	shalt  }
0x52: {  	_ =	shalt  }
0x53: {  	_ =	shalt  }
0x54: {  	_ =	shalt  }
0x55: {  	_ =	shalt  }
0x56: {  	_ =	shalt  }
0x57: {  	_ =	shalt  }
0x58: {  	_ =	shalt  }
0x59: {  	_ =	shalt  }
0x5a: {  	_ =	shalt  }
0x5b: {  	_ =	shalt  }
0x5c: {  	_ =	shalt  }
0x5d: {  	_ =	shalt  }
0x5e: {  	_ =	shalt  }
0x5f: {  	_ =	shalt  }
0x60: {  	_ =	shalt  }
0x61: {  	_ =	shalt  }
0x62: {  	_ =	shalt  }
0x63: {  	_ =	shalt  }
0x64: {  	_ =	shalt  }
0x65: {  	_ =	shalt  }
0x66: {  	_ =	shalt  }
0x67: {  	_ =	shalt  }
0x68: {  	_ =	shalt  }
0x69: {  	_ =	shalt  }
0x6a: {  	_ =	shalt  }
0x6b: {  	_ =	shalt  }
0x6c: {  	_ =	shalt  }
0x6d: {  	_ =	shalt  }
0x6e: {  	_ =	shalt  }
0x6f: {  	_ =	shalt  }
0x70: {  	_ =	shalt  }
0x71: {  	_ =	shalt  }
0x72: {  	_ =	shalt  }
0x73: {  	_ =	shalt  }
0x74: {  	_ =	shalt  }
0x75: {  	_ =	shalt  }
0x76: {  	_ =	shalt  }
0x77: {  	_ =	shalt  }
0x78: {  	_ =	shalt  }
0x79: {  	_ =	shalt  }
0x7a: {  	_ =	shalt  }
0x7b: {  	_ =	shalt  }
0x7c: {  	_ =	shalt  }
0x7d: {  	_ =	shalt  }
0x7e: {  	_ =	shalt  }
0x7f: {  	_ =	shalt  }
0x80: {  	_ =	shalt  }
0x81: {  	_ =	shalt  }
0x82: {  	_ =	shalt  }
0x83: {  	_ =	shalt  }
0x84: {  	_ =	shalt  }
0x85: {  	_ =	shalt  }
0x86: {  	_ =	shalt  }
0x87: {  	_ =	shalt  }
.Lfunc_end0:
.L_simem_size_0:
called_computation_lowered:
.L_overlay_start_0:
0x88: {  	s2 =	sld [smem:$0x3FD9]  }
0x89: {  	s3 =	sld [smem:$0x3FFE];
	_ =	sdelay $0x1  }
0x8a: {  	s1 =	srdreg.scid  }
0x8b: {  	s0 =	sand.u32 $0x1, s1  }
0x8c: {  	s17 =	sshll.u32 s0, $0xA;
	s2 =	sadd.s32 s3, s2  }
0x8d: {  	s2 =	sadd.s32 s2, s17  }
0x8e: {  	[smem:$0x3FC6] =	sst s2  }
0x8f: {  	_ = 	snop  }
0x90: {  	s2 =	sld [smem:$0x3FC9]  }
0x91: {  	s18 =	sld [smem:$0x3FD0];
	(tm) =	ssettm $0x1  }
0x92: {  	s4 =	sld [smem:$0x3FFB];
	_ =	sdelay $0x3  }
0x93: {  	_ =	strace s4  }
0x94: {  	s4 =	sld [smem:$0x3FFC];
	_ =	sdelay $0x3  }
0x95: {  	_ =	strace s4  }
0x96: {  	s4 =	sld [smem:$0x3FFD];
	_ =	sdelay $0x3  }
0x97: {  	_ =	strace s4  }
0x98: {  	_ =	strace $0x8FFFFFFF  }
0x99: {  	s19 =	sld [smem:$0x3FDB];
	_ =	sdelay $0x1  }
0x9a: {  	s5 =	simm.s32 $_scs_section_size  }
0x9b: {  	s6 =	simm.s32 $_size__tile_overlayer_lowered;
	s7 =	simm.s32 $_tile_overlayer_lowered  }
0x9c: {  	s22 =	simm.s32 $0x1BFF;
	s21 =	sshll.u32 s7, $0x1;
	s4 =	sadd.s32 s5, s19  }
0x9d: {  	s8 =	simm.s32 $0x0;
	s20 =	sshll.u32 s6, $0x1;
	s6 =	sadd.s32 s21, s4  }
0x9e: {  	[timem:s8], [sflag:s22] =	dma.local [hbm:s6], s20  }
0x9f: {  	_ =	swait.ge [sflag:s22], s20  }
0xa0: {  	s5 =	ssub.s32 $0x0, s20;
	[sflag:s22] =	ssyncset.done $0x0  }
0xa1: {  	[sflag:s22] =	ssyncadd.s32 s5;
	_ =	sdelay $0x1  }
0xa2: {  	s23 =	simm.s32 $0x1B8B  }
0xa3: {  	_ =	swait.ge [sflag:s23], $0x1  }
0xa4: {  	[sflag:s23] =	ssyncset.done $0x0  }
0xa5: {  	s25 =	simm.s32 $0x1B8E;
	s24 =	sld [smem:$0x3FFE];
	[sflag:s23] =	ssyncadd.s32 $0xFFFFFFFF  }
0xa6: {  	s26 =	simm.s32 $execute0_lowered;
	[smem:$0x3FD2] =	sst s25  }
0xa7: {  	s6 =	sshll.u32 s26, $0x1;
	_ =	strace $0x80000046;
	[dreg:$0x1] =	wrdreg $0xFFFFFFFF  }
0xa8: {  	s28 =	simm.s32 $_size_execute0_lowered;
	s4 =	sadd.s32 s4, s6;
	[dreg:$0x0] =	wrdreg $0x0  }
0xa9: {  	s6 =	sshll.u32 s28, $0x1;
	[dreg:$0x2] =	wrdreg s4  }
0xaa: {  	[dreg:$0x3] =	wrdreg s6  }
0xab: {  	[dreg:$0x4] =	wrdreg $0xC0  }
0xac: {  	_ =	task [dreg:s8], $0x5FFFF  }
0xad: {  	[dreg:$0x1] =	wrdreg $0xFFFFFFFF  }
0xae: {  	[dreg:$0x0] =	wrdreg $0x60  }
0xaf: {  	[dreg:$0x2] =	wrdreg s2  }
0xb0: {  	[dreg:$0x3] =	wrdreg s24  }
0xb1: {  	[dreg:$0x4] =	wrdreg s18  }
0xb2: {  	[dreg:$0x5] =	wrdreg $0x9  }
0xb3: {  	_ =	task.clear_ibuf [dreg:s8], $0x6FFFF;
	_ =	strace $0x90000046  }
0xb4: {  	s29 =	simm.s32 $0x9;
	_ =	strace $0x80000048  }
0xb5: {  	_ =	swait.ge [sflag:s29], $0x1  }
0xb6: {  	[sflag:s29] =	ssyncadd.s32 $0xFFFFFFFF  }
0xb7: {  	_ =	strace $0x90000048  }
0xb8: {  	_ =	sfence  }
0xb9: {  	s30 =	sld [smem:$0x0];
	_ =	sdelay $0x2  }
0xba: {  	s31 =	sshll.u32 s1, $0xD;
	s1 =	sshrl.u32 s1, $0x2  }
0xbb: {  	s3 =	sand.u32 $0x4000, s31;
	s1 =	sadd.s32 s1, s30  }
0xbc: {  	s0 =	sor.u32 s3, s0;
	s1 =	sshll.u32 s1, $0x11  }
0xbd: {  	s0 =	sor.u32 s1, s0  }
0xbe: {  	s0 =	sadd.s32 $0x8F2B, s0  }
0xbf: {  	[sflag:s0] =	ssyncadd.remote.s32 $0x1  }
0xc0: {  	_ =	sfence.sel $0xFFFF  }
0xc1: {  	[dreg:$0x0] =	wrdreg $0xFFFFFFFF;
	(pc) =	sbr.abs _section_cstart, $3  }
0xc2: {  	[dreg:$0x1] =	wrdreg $0xFFFFFFFF  }
0xc3: {  	_ =	task.clear_ibuf [dreg:s8], $0x2FFFF;
	_ =	strace $0x9FFFFFFF  }
0xc4: {  	(tm) =	ssettm $0x7FFFFFFF  }
0xc5: {  	_ =	shalt  }
tec
execute0_lowered:
.L_overlay_start_1:
0x0: {  	(tag) =	ssettag $0x1  }
0x1: {  	s1 =	rddreg [dreg:$0x0]  }
0x2: {  	s4 =	rddreg [dreg:$0x1]  }
0x3: {  	s8 =	rddreg [dreg:$0x2]  }
0x4: {  	s0 =	rddreg [dreg:$0x3];
	s3 =	simm.s32 $0x0  }
0x5: {  	s5 =	srdreg.scid;
	s2 =	stileid.u32;
	s12 =	simm.s32 $0x80  }
0x6: {  	s13 =	simm.s32 $0x300;
	s14 =	simm.s32 $0x2;
	s16 =	simm.s32 $0x1  }
0x7: {  	s17 =	simm.s32 $0x0;
	[smem:$0x7FF] =	sst s3;
	s5 =	sand.u32 $0x1, s5  }
0x8: {  	s6 =	sshll.u32 s2, $0x1;
	s4 =	sadd.s32 $0x400, s4;
	s7 =	ssub.s32 $0x2, s5  }
0x9: {  	_ =	strace $0x80000047;
	s15 =	sor.u32 s5, s6;
	s30 =	sshrl.u32 s7, $0x1  }
0xa: {  	s6 =	sshll.u32 s15, $0x7;
	p0 =	seq.s32 s15, $0x1F;
	s9 =	sshll.u32 s15, $0x3  }
0xb: {  	p1 =	sgt.u32 s15, $0x18;
	s6 =	smin.u32 s6, $0xEB0;
	s10 =	ssub.s32 s7, s30  }
.Ltmp0:
0xc: {  	s9 =	simm.s32 @p0 $0xC8;
	s5 =	sor.u32 $0x4, s6;
	(pc) =	sbr.rel .LBB2_1-.Ltmp0, $4  }
0xd: {  	s31 =	sshll.u32 s9, $0x4;
	s11 =	sshll.u32 s6, $0x4;
	s6 =	sshll.u32 s9, $0x7  }
0xe: {  	s9 =	smax.u32 s10, $0x1;
	s10 =	simm.s32 $0x3;
	s5 =	simm.s32 @p0 $0x0  }
0xf: {  	s7 =	sadd.s32 s8, s31;
	s8 =	sadd.s32 s11, s8;
	p0 =	sne.s32 s15, $0x1F  }
0x10: {  	v0 =	vimm.s32 $0x0;
	v1 =	vimm.s32 $0x1;
	v2 =	vlaneseq.u32;
	s11 =	simm.s32 $0x4;
	s15 =	simm.s32 $0x500;
	s8 =	sadd.s32 $0xD00, s8  }
.LBB2_15:
0x11: {  	_ =	swait.ge [sflag:s16], $0x4000  }
0x12: {  	[sflag:s16] =	ssyncset.done $0x0  }
0x13: {  	[sflag:s16] =	ssyncadd.s32 $0xFFFFC000  }
0x14: {  	[hbm4b:s8+s3] =	stream.linear.scatter [tilespmem:s15], [sflag:$0x3], $0x4000, $0x38;
	[tilespmem:$0x4500] =	vst v63  }
0x15: {  	_ =	swait.ge [sflag:s10], $0x4000  }
0x16: {  	[sflag:s10] =	ssyncset.done $0x0  }
0x17: {  	[sflag:s10] =	ssyncadd.s32 $0xFFFFC000  }
.LBB2_13:
0x18: {  	s17 =	sadd.s32 $0x1, s17  }
0x19: {  	p2 =	sne.s32 s17, s9  }
.Ltmp1:
0x1a: {  	_ = 	snop;
	(pc) =	sbr.rel @!p2 .LBB2_14-.Ltmp1, $1  }
0x1b: {  	_ =	sdelay $0x3  }
.LBB2_1:
0x1c: {  	[tilespmem:s3], [sflag:$0x3] =	stream.linear.gather [hbm4b:s4+s3], $0x2, $0x38;
	[tilespmem:$0x4500] =	vst v63  }
0x1d: {  	_ =	swait.ge [sflag:s10], $0x2  }
0x1e: {  	[sflag:s10] =	ssyncset.done $0x0  }
0x1f: {  	[sflag:s10] =	ssyncadd.s32 $0xFFFFFFFE  }
0x20: {  	v3 =	vld [tilespmem:$0x0];
	_ =	sdelay $0x4  }
0x21: {  	v5 =	vperm.xlane v3, v1  }
0x22: {  	v3 =	vperm.xlane v3, v0  }
0x23: {  	v4 =	vshrl.u32 v5, $0x13;
	v6 =	vshll.u32 v5, $0xD  }
0x24: {  	v7 =	vadd.s32 v3, v5;
	v4 =	vor.u32 v4, v6  }
0x25: {  	v4 =	vxor.u32 v7, v4  }
0x26: {  	v6 =	vshrl.u32 v4, $0x11;
	v8 =	vshll.u32 v4, $0xF  }
0x27: {  	v4 =	vadd.s32 v7, v4;
	v6 =	vor.u32 v6, v8  }
0x28: {  	v6 =	vxor.u32 v4, v6  }
0x29: {  	v7 =	vshrl.u32 v6, $0x6;
	v8 =	vshll.u32 v6, $0x1A  }
0x2a: {  	v6 =	vadd.s32 v4, v6;
	v4 =	vor.u32 v7, v8  }
0x2b: {  	v7 =	vxor.u32 v6, v4  }
0x2c: {  	v4 =	vxor.u32 v5, v3;
	v8 =	vshrl.u32 v7, $0x1A;
	v9 =	vshll.u32 v7, $0x6  }
0x2d: {  	v4 =	vxor.u32 $0x1BD11BDA, v4;
	v7 =	vadd.s32 v6, v7;
	v6 =	vor.u32 v8, v9  }
0x2e: {  	v8 =	vxor.u32 v7, v6;
	v6 =	vadd.s32 $0x1, v4  }
0x2f: {  	v8 =	vadd.s32 v8, v6  }
0x30: {  	v7 =	vadd.s32 v5, v7;
	v9 =	vshrl.u32 v8, $0xF;
	v10 =	vshll.u32 v8, $0x11  }
0x31: {  	v7 =	vadd.s32 v8, v7;
	v8 =	vor.u32 v9, v10  }
0x32: {  	v8 =	vxor.u32 v7, v8  }
0x33: {  	v9 =	vshrl.u32 v8, $0x3;
	v10 =	vshll.u32 v8, $0x1D  }
0x34: {  	v7 =	vadd.s32 v7, v8;
	v8 =	vor.u32 v9, v10  }
0x35: {  	v8 =	vxor.u32 v7, v8  }
0x36: {  	v9 =	vshrl.u32 v8, $0x10;
	v10 =	vshll.u32 v8, $0x10  }
0x37: {  	v7 =	vadd.s32 v7, v8;
	v8 =	vor.u32 v9, v10  }
0x38: {  	v8 =	vxor.u32 v7, v8  }
0x39: {  	v9 =	vshrl.u32 v8, $0x8;
	v10 =	vshll.u32 v8, $0x18  }
0x3a: {  	v8 =	vadd.s32 v7, v8;
	v7 =	vor.u32 v9, v10  }
0x3b: {  	v9 =	vxor.u32 v8, v7;
	v7 =	vadd.s32 $0x2, v3  }
0x3c: {  	v9 =	vadd.s32 v9, v7  }
0x3d: {  	v8 =	vadd.s32 v4, v8;
	v10 =	vshrl.u32 v9, $0x13;
	v11 =	vshll.u32 v9, $0xD  }
0x3e: {  	v8 =	vadd.s32 v9, v8;
	v9 =	vor.u32 v10, v11  }
0x3f: {  	v9 =	vxor.u32 v8, v9  }
0x40: {  	v10 =	vshrl.u32 v9, $0x11;
	v11 =	vshll.u32 v9, $0xF  }
0x41: {  	v8 =	vadd.s32 v8, v9;
	v9 =	vor.u32 v10, v11  }
0x42: {  	v9 =	vxor.u32 v8, v9  }
0x43: {  	v10 =	vshrl.u32 v9, $0x6;
	v11 =	vshll.u32 v9, $0x1A  }
0x44: {  	v8 =	vadd.s32 v8, v9;
	v9 =	vor.u32 v10, v11  }
0x45: {  	v9 =	vxor.u32 v8, v9  }
0x46: {  	v10 =	vshrl.u32 v9, $0x1A;
	v11 =	vshll.u32 v9, $0x6  }
0x47: {  	v9 =	vadd.s32 v8, v9;
	v8 =	vor.u32 v10, v11  }
0x48: {  	v10 =	vxor.u32 v9, v8;
	v8 =	vadd.s32 $0x3, v5  }
0x49: {  	v10 =	vadd.s32 v10, v8  }
0x4a: {  	v9 =	vadd.s32 v3, v9;
	v11 =	vshrl.u32 v10, $0xF;
	v12 =	vshll.u32 v10, $0x11  }
0x4b: {  	v9 =	vadd.s32 v10, v9;
	v10 =	vor.u32 v11, v12  }
0x4c: {  	v10 =	vxor.u32 v9, v10  }
0x4d: {  	v11 =	vshrl.u32 v10, $0x3;
	v12 =	vshll.u32 v10, $0x1D  }
0x4e: {  	v9 =	vadd.s32 v9, v10;
	v10 =	vor.u32 v11, v12  }
0x4f: {  	v10 =	vxor.u32 v9, v10  }
0x50: {  	v11 =	vshrl.u32 v10, $0x10;
	v12 =	vshll.u32 v10, $0x10  }
0x51: {  	v9 =	vadd.s32 v9, v10;
	v10 =	vor.u32 v11, v12  }
0x52: {  	v10 =	vxor.u32 v9, v10  }
0x53: {  	v11 =	vshrl.u32 v10, $0x8;
	v12 =	vshll.u32 v10, $0x18  }
0x54: {  	v10 =	vadd.s32 v9, v10;
	v9 =	vor.u32 v11, v12  }
0x55: {  	v11 =	vxor.u32 v10, v9;
	v9 =	vadd.s32 $0x4, v4  }
0x56: {  	v11 =	vadd.s32 v11, v9  }
0x57: {  	v10 =	vadd.s32 v5, v10;
	v12 =	vshrl.u32 v11, $0x13;
	v13 =	vshll.u32 v11, $0xD  }
0x58: {  	v10 =	vadd.s32 v11, v10;
	v11 =	vor.u32 v12, v13  }
0x59: {  	v11 =	vxor.u32 v10, v11  }
0x5a: {  	v12 =	vshrl.u32 v11, $0x11;
	v13 =	vshll.u32 v11, $0xF  }
0x5b: {  	v10 =	vadd.s32 v10, v11;
	v11 =	vor.u32 v12, v13  }
0x5c: {  	v11 =	vxor.u32 v10, v11  }
0x5d: {  	v12 =	vshrl.u32 v11, $0x6;
	v13 =	vshll.u32 v11, $0x1A  }
0x5e: {  	v10 =	vadd.s32 v10, v11;
	v11 =	vor.u32 v12, v13  }
0x5f: {  	v11 =	vxor.u32 v10, v11  }
0x60: {  	v12 =	vshrl.u32 v11, $0x1A;
	v13 =	vshll.u32 v11, $0x6  }
0x61: {  	v10 =	vadd.s32 v10, v11;
	v11 =	vor.u32 v12, v13  }
0x62: {  	v11 =	vxor.u32 v10, v11  }
0x63: {  	v11 =	vadd.s32 v3, v11  }
0x64: {  	v12 =	vadd.s32 $0x6, v11  }
0x65: {  	v10 =	vadd.s32 v4, v10;
	v13 =	vshrl.u32 v12, $0x13;
	v14 =	vshll.u32 v12, $0xD  }
0x66: {  	v12 =	vadd.s32 v10, v12;
	v13 =	vor.u32 v13, v14  }
0x67: {  	v13 =	vxor.u32 v12, v13  }
0x68: {  	v14 =	vshrl.u32 v13, $0x11;
	v15 =	vshll.u32 v13, $0xF  }
0x69: {  	v12 =	vadd.s32 v12, v13;
	v13 =	vor.u32 v14, v15  }
0x6a: {  	v13 =	vxor.u32 v12, v13  }
0x6b: {  	v14 =	vshrl.u32 v13, $0x6;
	v15 =	vshll.u32 v13, $0x1A  }
0x6c: {  	v12 =	vadd.s32 v12, v13;
	v13 =	vor.u32 v14, v15  }
0x6d: {  	v13 =	vxor.u32 v12, v13  }
0x6e: {  	v14 =	vadd.s32 $0x5, v11;
	v15 =	vshrl.u32 v13, $0x1A;
	v16 =	vshll.u32 v13, $0x6  }
0x6f: {  	v17 =	vxor.u32 v14, v10;
	v12 =	vadd.s32 v12, v13;
	v13 =	vor.u32 v15, v16  }
0x70: {  	v15 =	vxor.u32 $0x1BD11BDA, v17;
	v13 =	vxor.u32 v12, v13  }
0x71: {  	v13 =	vadd.s32 v13, v15  }
0x72: {  	v13 =	vadd.s32 $0x1, v13  }
0x73: {  	v12 =	vadd.s32 v14, v12;
	v16 =	vshrl.u32 v13, $0xF;
	v17 =	vshll.u32 v13, $0x11  }
0x74: {  	v12 =	vadd.s32 v13, v12;
	v13 =	vor.u32 v16, v17  }
0x75: {  	v13 =	vxor.u32 v12, v13  }
0x76: {  	v16 =	vshrl.u32 v13, $0x3;
	v17 =	vshll.u32 v13, $0x1D  }
0x77: {  	v12 =	vadd.s32 v12, v13;
	v13 =	vor.u32 v16, v17  }
0x78: {  	v13 =	vxor.u32 v12, v13  }
0x79: {  	v16 =	vshrl.u32 v13, $0x10;
	v17 =	vshll.u32 v13, $0x10  }
0x7a: {  	v12 =	vadd.s32 v12, v13;
	v13 =	vor.u32 v16, v17  }
0x7b: {  	v13 =	vxor.u32 v12, v13  }
0x7c: {  	v16 =	vshrl.u32 v13, $0x8;
	v17 =	vshll.u32 v13, $0x18  }
0x7d: {  	v12 =	vadd.s32 v12, v13;
	v13 =	vor.u32 v16, v17  }
0x7e: {  	v13 =	vxor.u32 v12, v13  }
0x7f: {  	v13 =	vadd.s32 v13, v10  }
0x80: {  	v13 =	vadd.s32 $0x2, v13  }
0x81: {  	v12 =	vadd.s32 v15, v12;
	v16 =	vshrl.u32 v13, $0x13;
	v17 =	vshll.u32 v13, $0xD  }
0x82: {  	v12 =	vadd.s32 v13, v12;
	v13 =	vor.u32 v16, v17  }
0x83: {  	v13 =	vxor.u32 v12, v13  }
0x84: {  	v16 =	vshrl.u32 v13, $0x11;
	v17 =	vshll.u32 v13, $0xF  }
0x85: {  	v12 =	vadd.s32 v12, v13;
	v13 =	vor.u32 v16, v17  }
0x86: {  	v13 =	vxor.u32 v12, v13  }
0x87: {  	v16 =	vshrl.u32 v13, $0x6;
	v17 =	vshll.u32 v13, $0x1A  }
0x88: {  	v12 =	vadd.s32 v12, v13;
	v13 =	vor.u32 v16, v17  }
0x89: {  	v13 =	vxor.u32 v12, v13  }
0x8a: {  	v16 =	vshrl.u32 v13, $0x1A;
	v17 =	vshll.u32 v13, $0x6  }
0x8b: {  	v12 =	vadd.s32 v12, v13;
	v13 =	vor.u32 v16, v17  }
0x8c: {  	v13 =	vxor.u32 v12, v13  }
0x8d: {  	v11 =	vadd.s32 v13, v11  }
0x8e: {  	v11 =	vadd.s32 $0x8, v11  }
0x8f: {  	v12 =	vadd.s32 v10, v12;
	v13 =	vshrl.u32 v11, $0xF;
	v16 =	vshll.u32 v11, $0x11  }
0x90: {  	v11 =	vadd.s32 v11, v12;
	v12 =	vor.u32 v13, v16  }
0x91: {  	v12 =	vxor.u32 v11, v12  }
0x92: {  	v13 =	vshrl.u32 v12, $0x3;
	v16 =	vshll.u32 v12, $0x1D  }
0x93: {  	v11 =	vadd.s32 v11, v12;
	v12 =	vor.u32 v13, v16  }
0x94: {  	v12 =	vxor.u32 v11, v12  }
0x95: {  	v13 =	vshrl.u32 v12, $0x10;
	v16 =	vshll.u32 v12, $0x10  }
0x96: {  	v11 =	vadd.s32 v11, v12;
	v12 =	vor.u32 v13, v16  }
0x97: {  	v12 =	vxor.u32 v11, v12  }
0x98: {  	v13 =	vshrl.u32 v12, $0x8;
	v16 =	vshll.u32 v12, $0x18  }
0x99: {  	v11 =	vadd.s32 v11, v12;
	v12 =	vor.u32 v13, v16  }
0x9a: {  	v12 =	vxor.u32 v11, v12  }
0x9b: {  	v12 =	vadd.s32 v12, v15  }
0x9c: {  	v12 =	vadd.s32 $0x4, v12  }
0x9d: {  	v11 =	vadd.s32 v14, v11;
	v13 =	vshrl.u32 v12, $0x13;
	v14 =	vshll.u32 v12, $0xD  }
0x9e: {  	v11 =	vadd.s32 v12, v11;
	v12 =	vor.u32 v13, v14  }
0x9f: {  	v12 =	vxor.u32 v11, v12  }
0xa0: {  	v13 =	vshrl.u32 v12, $0x11;
	v14 =	vshll.u32 v12, $0xF  }
0xa1: {  	v11 =	vadd.s32 v11, v12;
	v12 =	vor.u32 v13, v14  }
0xa2: {  	v12 =	vxor.u32 v11, v12  }
0xa3: {  	v13 =	vshrl.u32 v12, $0x6;
	v14 =	vshll.u32 v12, $0x1A  }
0xa4: {  	v11 =	vadd.s32 v11, v12;
	v12 =	vor.u32 v13, v14  }
0xa5: {  	v12 =	vxor.u32 v11, v12  }
0xa6: {  	v13 =	vshrl.u32 v12, $0x1A;
	v14 =	vshll.u32 v12, $0x6  }
0xa7: {  	v11 =	vadd.s32 v11, v12;
	v12 =	vor.u32 v13, v14  }
0xa8: {  	v12 =	vxor.u32 v11, v12  }
0xa9: {  	v10 =	vadd.s32 v10, v12  }
0xaa: {  	v12 =	vadd.s32 $0x6, v10  }
0xab: {  	v11 =	vadd.s32 v15, v11;
	v13 =	vshrl.u32 v12, $0x13;
	v14 =	vshll.u32 v12, $0xD  }
0xac: {  	v12 =	vadd.s32 v11, v12;
	v13 =	vor.u32 v13, v14  }
0xad: {  	v13 =	vxor.u32 v12, v13  }
0xae: {  	v14 =	vshrl.u32 v13, $0x11;
	v15 =	vshll.u32 v13, $0xF  }
0xaf: {  	v12 =	vadd.s32 v12, v13;
	v13 =	vor.u32 v14, v15  }
0xb0: {  	v13 =	vxor.u32 v12, v13  }
0xb1: {  	v14 =	vshrl.u32 v13, $0x6;
	v15 =	vshll.u32 v13, $0x1A  }
0xb2: {  	v12 =	vadd.s32 v12, v13;
	v13 =	vor.u32 v14, v15  }
0xb3: {  	v13 =	vxor.u32 v12, v13  }
0xb4: {  	v14 =	vadd.s32 $0x5, v10;
	v15 =	vshrl.u32 v13, $0x1A;
	v16 =	vshll.u32 v13, $0x6  }
0xb5: {  	v17 =	vxor.u32 v14, v11;
	v12 =	vadd.s32 v12, v13;
	v13 =	vor.u32 v15, v16  }
0xb6: {  	v15 =	vxor.u32 $0x1BD11BDA, v17;
	v13 =	vxor.u32 v12, v13  }
0xb7: {  	v13 =	vadd.s32 v13, v15  }
0xb8: {  	v13 =	vadd.s32 $0x1, v13  }
0xb9: {  	v12 =	vadd.s32 v14, v12;
	v16 =	vshrl.u32 v13, $0xF;
	v17 =	vshll.u32 v13, $0x11  }
0xba: {  	v12 =	vadd.s32 v13, v12;
	v13 =	vor.u32 v16, v17  }
0xbb: {  	v13 =	vxor.u32 v12, v13  }
0xbc: {  	v16 =	vshrl.u32 v13, $0x3;
	v17 =	vshll.u32 v13, $0x1D  }
0xbd: {  	v12 =	vadd.s32 v12, v13;
	v13 =	vor.u32 v16, v17  }
0xbe: {  	v13 =	vxor.u32 v12, v13  }
0xbf: {  	v16 =	vshrl.u32 v13, $0x10;
	v17 =	vshll.u32 v13, $0x10  }
0xc0: {  	v12 =	vadd.s32 v12, v13;
	v13 =	vor.u32 v16, v17  }
0xc1: {  	v13 =	vxor.u32 v12, v13  }
0xc2: {  	v16 =	vshrl.u32 v13, $0x8;
	v17 =	vshll.u32 v13, $0x18  }
0xc3: {  	v12 =	vadd.s32 v12, v13;
	v13 =	vor.u32 v16, v17  }
0xc4: {  	v13 =	vxor.u32 v12, v13  }
0xc5: {  	v13 =	vadd.s32 v13, v11  }
0xc6: {  	v13 =	vadd.s32 $0x2, v13  }
0xc7: {  	v12 =	vadd.s32 v15, v12;
	v16 =	vshrl.u32 v13, $0x13;
	v17 =	vshll.u32 v13, $0xD  }
0xc8: {  	v12 =	vadd.s32 v13, v12;
	v13 =	vor.u32 v16, v17  }
0xc9: {  	v13 =	vxor.u32 v12, v13  }
0xca: {  	v16 =	vshrl.u32 v13, $0x11;
	v17 =	vshll.u32 v13, $0xF  }
0xcb: {  	v12 =	vadd.s32 v12, v13;
	v13 =	vor.u32 v16, v17  }
0xcc: {  	v13 =	vxor.u32 v12, v13  }
0xcd: {  	v16 =	vshrl.u32 v13, $0x6;
	v17 =	vshll.u32 v13, $0x1A  }
0xce: {  	v12 =	vadd.s32 v12, v13;
	v13 =	vor.u32 v16, v17  }
0xcf: {  	v13 =	vxor.u32 v12, v13  }
0xd0: {  	v16 =	vshrl.u32 v13, $0x1A;
	v17 =	vshll.u32 v13, $0x6  }
0xd1: {  	v12 =	vadd.s32 v12, v13;
	v13 =	vor.u32 v16, v17  }
0xd2: {  	v13 =	vxor.u32 v12, v13  }
0xd3: {  	v10 =	vadd.s32 v13, v10  }
0xd4: {  	v10 =	vadd.s32 $0x8, v10  }
0xd5: {  	v12 =	vadd.s32 v11, v12;
	v13 =	vshrl.u32 v10, $0xF;
	v16 =	vshll.u32 v10, $0x11  }
0xd6: {  	v10 =	vadd.s32 v10, v12;
	v12 =	vor.u32 v13, v16  }
0xd7: {  	v12 =	vxor.u32 v10, v12  }
0xd8: {  	v13 =	vshrl.u32 v12, $0x3;
	v16 =	vshll.u32 v12, $0x1D  }
0xd9: {  	v10 =	vadd.s32 v10, v12;
	v12 =	vor.u32 v13, v16  }
0xda: {  	v12 =	vxor.u32 v10, v12  }
0xdb: {  	v13 =	vshrl.u32 v12, $0x10;
	v16 =	vshll.u32 v12, $0x10  }
0xdc: {  	v10 =	vadd.s32 v10, v12;
	v12 =	vor.u32 v13, v16  }
0xdd: {  	v12 =	vxor.u32 v10, v12  }
0xde: {  	v13 =	vshrl.u32 v12, $0x8;
	v16 =	vshll.u32 v12, $0x18  }
0xdf: {  	v10 =	vadd.s32 v10, v12;
	v12 =	vor.u32 v13, v16  }
0xe0: {  	v12 =	vxor.u32 v10, v12  }
0xe1: {  	v12 =	vadd.s32 v12, v15  }
0xe2: {  	v12 =	vadd.s32 $0x4, v12  }
0xe3: {  	v10 =	vadd.s32 v14, v10;
	v13 =	vshrl.u32 v12, $0x13;
	v14 =	vshll.u32 v12, $0xD  }
0xe4: {  	v10 =	vadd.s32 v12, v10;
	v12 =	vor.u32 v13, v14  }
0xe5: {  	v12 =	vxor.u32 v10, v12  }
0xe6: {  	v13 =	vshrl.u32 v12, $0x11;
	v14 =	vshll.u32 v12, $0xF  }
0xe7: {  	v10 =	vadd.s32 v10, v12;
	v12 =	vor.u32 v13, v14  }
0xe8: {  	v12 =	vxor.u32 v10, v12  }
0xe9: {  	v13 =	vshrl.u32 v12, $0x6;
	v14 =	vshll.u32 v12, $0x1A  }
0xea: {  	v10 =	vadd.s32 v10, v12;
	v12 =	vor.u32 v13, v14  }
0xeb: {  	v12 =	vxor.u32 v10, v12  }
0xec: {  	v13 =	vshrl.u32 v12, $0x1A;
	v14 =	vshll.u32 v12, $0x6  }
0xed: {  	v10 =	vadd.s32 v10, v12;
	v12 =	vor.u32 v13, v14  }
0xee: {  	v12 =	vxor.u32 v10, v12  }
0xef: {  	v12 =	vadd.s32 v12, v11  }
0xf0: {  	v11 =	vadd.s32 $0x5, v12  }
0xf1: {  	v16 =	vadd.s32 v2, v11  }
0xf2: {  	v14 =	vadd.s32 s5, v16  }
0xf3: {  	v13 =	vadd.s32 v15, v10;
	v10 =	vshrl.u32 v14, $0x13;
	v15 =	vshll.u32 v14, $0xD  }
0xf4: {  	v14 =	vadd.s32 v13, v14;
	v10 =	vor.u32 v10, v15  }
0xf5: {  	v10 =	vxor.u32 v14, v10  }
0xf6: {  	v15 =	vshrl.u32 v10, $0x11;
	v17 =	vshll.u32 v10, $0xF  }
0xf7: {  	v10 =	vadd.s32 v14, v10;
	v14 =	vor.u32 v15, v17  }
0xf8: {  	v14 =	vxor.u32 v10, v14  }
0xf9: {  	v15 =	vshrl.u32 v14, $0x6;
	v17 =	vshll.u32 v14, $0x1A  }
0xfa: {  	v14 =	vadd.s32 v10, v14;
	v10 =	vor.u32 v15, v17  }
0xfb: {  	v15 =	vxor.u32 v14, v10  }
0xfc: {  	v10 =	vxor.u32 v11, v13;
	v17 =	vshrl.u32 v15, $0x1A;
	v18 =	vshll.u32 v15, $0x6  }
0xfd: {  	v10 =	vxor.u32 $0x1BD11BDA, v10;
	v14 =	vadd.s32 v14, v15;
	v15 =	vor.u32 v17, v18  }
0xfe: {  	v17 =	vadd.s32 $0x1, v10;
	v15 =	vxor.u32 v14, v15  }
0xff: {  	v15 =	vadd.s32 v15, v17  }
0x100: {  	v14 =	vadd.s32 v11, v14;
	v18 =	vshrl.u32 v15, $0xF;
	v19 =	vshll.u32 v15, $0x11  }
0x101: {  	v14 =	vadd.s32 v15, v14;
	v15 =	vor.u32 v18, v19  }
0x102: {  	v15 =	vxor.u32 v14, v15  }
0x103: {  	v18 =	vshrl.u32 v15, $0x3;
	v19 =	vshll.u32 v15, $0x1D  }
0x104: {  	v14 =	vadd.s32 v14, v15;
	v15 =	vor.u32 v18, v19  }
0x105: {  	v15 =	vxor.u32 v14, v15  }
0x106: {  	v18 =	vshrl.u32 v15, $0x10;
	v19 =	vshll.u32 v15, $0x10  }
0x107: {  	v14 =	vadd.s32 v14, v15;
	v15 =	vor.u32 v18, v19  }
0x108: {  	v15 =	vxor.u32 v14, v15  }
0x109: {  	v18 =	vshrl.u32 v15, $0x8;
	v19 =	vshll.u32 v15, $0x18  }
0x10a: {  	v14 =	vadd.s32 v14, v15;
	v15 =	vor.u32 v18, v19  }
0x10b: {  	v18 =	vadd.s32 $0x2, v13;
	v19 =	vxor.u32 v14, v15  }
0x10c: {  	v15 =	vadd.s32 $0x8, v12;
	v12 =	vadd.s32 v19, v18  }
0x10d: {  	v19 =	vadd.s32 v10, v14;
	v20 =	vshrl.u32 v12, $0x13;
	v21 =	vshll.u32 v12, $0xD  }
0x10e: {  	s20 =	sadd.s32 $0x10, s5;
	v14 =	vadd.s32 $0x4, v10;
	v19 =	vadd.s32 v12, v19;
	v20 =	vor.u32 v20, v21  }
0x10f: {  	v12 =	vadd.s32 $0x5, v13;
	v21 =	vadd.s32 s20, v16;
	v20 =	vxor.u32 v19, v20  }
0x110: {  	v22 =	vshrl.u32 v21, $0x13;
	v23 =	vshrl.u32 v20, $0x11;
	v24 =	vshll.u32 v20, $0xF  }
0x111: {  	v25 =	vshll.u32 v21, $0xD;
	v19 =	vadd.s32 v19, v20;
	v20 =	vor.u32 v23, v24  }
0x112: {  	v21 =	vadd.s32 v13, v21;
	v22 =	vor.u32 v22, v25;
	v20 =	vxor.u32 v19, v20  }
0x113: {  	v22 =	vxor.u32 v21, v22;
	v23 =	vshrl.u32 v20, $0x6;
	v61 =	vshll.u32 v20, $0x1A  }
0x114: {  	v21 =	vadd.s32 v21, v22;
	v19 =	vadd.s32 v19, v20;
	v20 =	vor.u32 v23, v61  }
0x115: {  	v23 =	vshrl.u32 v22, $0x11;
	v22 =	vshll.u32 v22, $0xF;
	v20 =	vxor.u32 v19, v20  }
0x116: {  	v22 =	vor.u32 v23, v22;
	v23 =	vshrl.u32 v20, $0x1A;
	v62 =	vshll.u32 v20, $0x6  }
0x117: {  	v22 =	vxor.u32 v21, v22;
	v19 =	vadd.s32 v19, v20;
	v20 =	vor.u32 v23, v62  }
0x118: {  	v23 =	vshrl.u32 v22, $0x6;
	v63 =	vshll.u32 v22, $0x1A;
	v20 =	vxor.u32 v19, v20  }
0x119: {  	s18 =	simm.s32 $0x40;
	s21 =	simm.s32 $0x80;
	s19 =	simm.s32 $0x0;
	v21 =	vadd.s32 v21, v22;
	v22 =	vor.u32 v23, v63;
	v20 =	vadd.s32 v20, v15  }
.LBB2_2:
0x11a: {  	p2 =	sne.s32 s21, $0x1C0;
	v19 =	vadd.s32 v13, v19;
	v23 =	vshrl.u32 v20, $0xF;
	v24 =	vshll.u32 v20, $0x11  }
0x11b: {  	v22 =	vxor.u32 v21, v22;
	s20 =	sadd.s32 $0x10, s20;
	v19 =	vadd.s32 v20, v19;
	v20 =	vor.u32 v23, v24  }
0x11c: {  	v23 =	vadd.s32 s20, v16;
	v21 =	vadd.s32 v21, v22;
	v20 =	vxor.u32 v19, v20  }
0x11d: {  	v24 =	vshrl.u32 v22, $0x1A;
	v25 =	vshrl.u32 v20, $0x3;
	v26 =	vshll.u32 v20, $0x1D  }
0x11e: {  	v22 =	vshll.u32 v22, $0x6;
	v19 =	vadd.s32 v19, v20;
	v20 =	vor.u32 v25, v26  }
0x11f: {  	v22 =	vor.u32 v24, v22;
	v24 =	vadd.s32 v11, v21;
	v20 =	vxor.u32 v19, v20  }
0x120: {  	v21 =	vxor.u32 v21, v22;
	v22 =	vshrl.u32 v20, $0x10;
	v25 =	vshll.u32 v20, $0x10  }
0x121: {  	v21 =	vadd.s32 v21, v17;
	v19 =	vadd.s32 v19, v20;
	v20 =	vor.u32 v22, v25  }
0x122: {  	v22 =	vadd.s32 v21, v24;
	v24 =	vshrl.u32 v21, $0xF;
	v20 =	vxor.u32 v19, v20  }
0x123: {  	v21 =	vshll.u32 v21, $0x11;
	v25 =	vshrl.u32 v20, $0x8;
	v26 =	vshll.u32 v20, $0x18  }
0x124: {  	v21 =	vor.u32 v24, v21;
	v19 =	vadd.s32 v19, v20;
	v20 =	vor.u32 v25, v26  }
0x125: {  	v24 =	vadd.s32 v13, v23;
	v21 =	vxor.u32 v22, v21;
	v20 =	vxor.u32 v19, v20  }
0x126: {  	v25 =	vshrl.u32 v23, $0x13;
	v26 =	vshrl.u32 v21, $0x3;
	v20 =	vadd.s32 v20, v14  }
0x127: {  	v19 =	vadd.s32 v11, v19;
	v27 =	vshrl.u32 v20, $0x13;
	v28 =	vshll.u32 v20, $0xD  }
0x128: {  	v29 =	vshll.u32 v21, $0x1D;
	v19 =	vadd.s32 v20, v19;
	v20 =	vor.u32 v27, v28  }
0x129: {  	v21 =	vadd.s32 v22, v21;
	v22 =	vor.u32 v26, v29;
	v20 =	vxor.u32 v19, v20  }
0x12a: {  	v22 =	vxor.u32 v21, v22;
	v26 =	vshrl.u32 v20, $0x11;
	v27 =	vshll.u32 v20, $0xF  }
0x12b: {  	v21 =	vadd.s32 v21, v22;
	v19 =	vadd.s32 v19, v20;
	v20 =	vor.u32 v26, v27  }
0x12c: {  	v26 =	vshrl.u32 v22, $0x10;
	v22 =	vshll.u32 v22, $0x10;
	v20 =	vxor.u32 v19, v20  }
0x12d: {  	v22 =	vor.u32 v26, v22;
	v26 =	vshrl.u32 v20, $0x6;
	v27 =	vshll.u32 v20, $0x1A  }
0x12e: {  	v22 =	vxor.u32 v21, v22;
	v19 =	vadd.s32 v19, v20;
	v20 =	vor.u32 v26, v27  }
0x12f: {  	v21 =	vadd.s32 v21, v22;
	v26 =	vshrl.u32 v22, $0x8;
	v20 =	vxor.u32 v19, v20  }
0x130: {  	v22 =	vshll.u32 v22, $0x18;
	v27 =	vshrl.u32 v20, $0x1A;
	v28 =	vshll.u32 v20, $0x6  }
0x131: {  	v22 =	vor.u32 v26, v22;
	v19 =	vadd.s32 v19, v20;
	v20 =	vor.u32 v27, v28  }
0x132: {  	v22 =	vxor.u32 v21, v22;
	v21 =	vadd.s32 v10, v21;
	v20 =	vxor.u32 v19, v20  }
0x133: {  	v22 =	vadd.s32 v22, v18;
	v19 =	vadd.s32 v10, v19;
	v20 =	vadd.s32 v20, v12  }
0x134: {  	v26 =	vshrl.u32 v22, $0x13;
	v27 =	vshll.u32 v22, $0xD;
	v19 =	vxor.u32 v19, v20  }
0x135: {  	v20 =	vadd.s32 v22, v21;
	v21 =	vor.u32 v26, v27;
	v22 =	vshrl.u32 v19, $0x5  }
0x136: {  	v23 =	vshll.u32 v23, $0xD;
	v21 =	vxor.u32 v20, v21;
	v22 =	vmulhi.u32 $0xA7C5AC5, v22  }
0x137: {  	v23 =	vor.u32 v25, v23;
	v25 =	vshrl.u32 v21, $0x11;
	v26 =	vshll.u32 v21, $0xF  }
0x138: {  	v20 =	vadd.s32 v20, v21;
	v21 =	vor.u32 v25, v26;
	v22 =	vshrl.u32 v22, $0x7  }
0x139: {  	v23 =	vxor.u32 v24, v23;
	v21 =	vxor.u32 v20, v21;
	v22 =	vmul.u32 $0x186A0, v22  }
0x13a: {  	v24 =	vadd.s32 v24, v23;
	v25 =	vshrl.u32 v21, $0x6;
	v26 =	vshll.u32 v21, $0x1A  }
0x13b: {  	s22 =	sshra.s32 s19, $0x2;
	s19 =	smov.u32 s18;
	s18 =	smov.u32 s21;
	v20 =	vadd.s32 v20, v21;
	v21 =	vor.u32 v25, v26;
	v19 =	vsub.s32 v19, v22  }
.Ltmp2:
0x13c: {  	v22 =	vshrl.u32 v23, $0x11;
	v23 =	vshll.u32 v23, $0xF;
	v21 =	vxor.u32 v20, v21;
	[tilespmem:s22+$0x80] =	vst v19;
	(pc) =	sbr.rel @p2 .LBB2_2-.Ltmp2, $4  }
0x13d: {  	v19 =	vor.u32 v22, v23;
	v22 =	vshrl.u32 v21, $0x1A;
	v23 =	vshll.u32 v21, $0x6  }
0x13e: {  	v25 =	vxor.u32 v24, v19;
	v19 =	vadd.s32 v20, v21;
	v20 =	vor.u32 v22, v23  }
0x13f: {  	v22 =	vshrl.u32 v25, $0x6;
	v23 =	vshll.u32 v25, $0x1A;
	v20 =	vxor.u32 v19, v20  }
0x140: {  	s21 =	sadd.s32 $0x40, s21;
	v21 =	vadd.s32 v24, v25;
	v22 =	vor.u32 v22, v23;
	v20 =	vadd.s32 v20, v15  }
0x141: {  	v16 =	vxor.u32 v21, v22  }
0x142: {  	v22 =	vshrl.u32 v16, $0x1A;
	v23 =	vshll.u32 v16, $0x6  }
0x143: {  	v16 =	vadd.s32 v21, v16;
	v36 =	vor.u32 v22, v23  }
0x144: {  	v21 =	vxor.u32 v16, v36  }
0x145: {  	v17 =	vadd.s32 v21, v17  }
0x146: {  	v16 =	vadd.s32 v11, v16;
	v21 =	vshrl.u32 v17, $0xF;
	v37 =	vshll.u32 v17, $0x11  }
0x147: {  	v16 =	vadd.s32 v17, v16;
	v38 =	vor.u32 v21, v37  }
0x148: {  	v17 =	vxor.u32 v16, v38  }
0x149: {  	v39 =	vshrl.u32 v17, $0x3;
	v40 =	vshll.u32 v17, $0x1D  }
0x14a: {  	v16 =	vadd.s32 v16, v17;
	v41 =	vor.u32 v39, v40  }
0x14b: {  	v17 =	vxor.u32 v16, v41  }
0x14c: {  	v42 =	vshrl.u32 v17, $0x10;
	v43 =	vshll.u32 v17, $0x10  }
0x14d: {  	v16 =	vadd.s32 v16, v17;
	v44 =	vor.u32 v42, v43  }
0x14e: {  	v17 =	vxor.u32 v16, v44  }
0x14f: {  	v45 =	vshrl.u32 v17, $0x8;
	v46 =	vshll.u32 v17, $0x18  }
0x150: {  	v16 =	vadd.s32 v16, v17;
	v47 =	vor.u32 v45, v46  }
0x151: {  	v17 =	vxor.u32 v16, v47  }
0x152: {  	v19 =	vadd.s32 v13, v19;
	v17 =	vadd.s32 v17, v18  }
0x153: {  	v16 =	vadd.s32 v10, v16;
	v18 =	vshrl.u32 v17, $0x13;
	v48 =	vshll.u32 v17, $0xD  }
0x154: {  	v49 =	vshrl.u32 v20, $0xF;
	v16 =	vadd.s32 v17, v16;
	v50 =	vor.u32 v18, v48  }
0x155: {  	v51 =	vshll.u32 v20, $0x11;
	v19 =	vadd.s32 v20, v19;
	v17 =	vxor.u32 v16, v50  }
0x156: {  	v18 =	vor.u32 v49, v51;
	v52 =	vshrl.u32 v17, $0x11;
	v53 =	vshll.u32 v17, $0xF  }
0x157: {  	v18 =	vxor.u32 v19, v18;
	v16 =	vadd.s32 v16, v17;
	v54 =	vor.u32 v52, v53  }
0x158: {  	v55 =	vshrl.u32 v18, $0x3;
	v56 =	vshll.u32 v18, $0x1D;
	v17 =	vxor.u32 v16, v54  }
0x159: {  	v18 =	vadd.s32 v19, v18;
	v57 =	vshrl.u32 v17, $0x6;
	v58 =	vshll.u32 v17, $0x1A  }
0x15a: {  	v20 =	vor.u32 v55, v56;
	v16 =	vadd.s32 v16, v17;
	v59 =	vor.u32 v57, v58  }
0x15b: {  	v60 =	vxor.u32 v18, v20;
	v17 =	vxor.u32 v16, v59  }
0x15c: {  	v20 =	vshrl.u32 v60, $0x10;
	v61 =	vshrl.u32 v17, $0x1A;
	v62 =	vshll.u32 v17, $0x6  }
0x15d: {  	v63 =	vshll.u32 v60, $0x10;
	v16 =	vadd.s32 v16, v17;
	v22 =	vor.u32 v61, v62  }
0x15e: {  	v18 =	vadd.s32 v18, v60;
	v23 =	vor.u32 v20, v63;
	v17 =	vxor.u32 v16, v22  }
0x15f: {  	v19 =	vxor.u32 v18, v23;
	v15 =	vadd.s32 v17, v15  }
0x160: {  	v24 =	vadd.s32 v13, v16;
	v25 =	vshrl.u32 v15, $0xF;
	v17 =	vshll.u32 v15, $0x11  }
0x161: {  	v26 =	vshrl.u32 v19, $0x8;
	v13 =	vadd.s32 v15, v24;
	v27 =	vor.u32 v25, v17  }
0x162: {  	v28 =	vshll.u32 v19, $0x18;
	v29 =	vadd.s32 v18, v19;
	v15 =	vxor.u32 v13, v27  }
0x163: {  	v16 =	vor.u32 v26, v28;
	v30 =	vshrl.u32 v15, $0x3;
	v31 =	vshll.u32 v15, $0x1D  }
0x164: {  	v16 =	vxor.u32 v29, v16;
	v13 =	vadd.s32 v13, v15;
	v32 =	vor.u32 v30, v31  }
0x165: {  	v16 =	vadd.s32 v16, v14;
	v15 =	vxor.u32 v13, v32  }
0x166: {  	v17 =	vadd.s32 v11, v29;
	v33 =	vshrl.u32 v15, $0x10;
	v34 =	vshll.u32 v15, $0x10  }
0x167: {  	v35 =	vshrl.u32 v16, $0x13;
	v13 =	vadd.s32 v13, v15;
	v36 =	vor.u32 v33, v34  }
0x168: {  	v37 =	vshll.u32 v16, $0xD;
	v16 =	vadd.s32 v16, v17;
	v15 =	vxor.u32 v13, v36  }
0x169: {  	v38 =	vor.u32 v35, v37;
	v39 =	vshrl.u32 v15, $0x8;
	v40 =	vshll.u32 v15, $0x18  }
0x16a: {  	v17 =	vxor.u32 v16, v38;
	v13 =	vadd.s32 v13, v15;
	v41 =	vor.u32 v39, v40  }
0x16b: {  	v42 =	vshrl.u32 v17, $0x11;
	v15 =	vxor.u32 v13, v41  }
0x16c: {  	v43 =	vshll.u32 v17, $0xF;
	v16 =	vadd.s32 v16, v17;
	v44 =	vadd.s32 v15, v14  }
0x16d: {  	v11 =	vadd.s32 v11, v13;
	v45 =	vshrl.u32 v44, $0x13;
	v15 =	vshll.u32 v44, $0xD  }
0x16e: {  	v46 =	vor.u32 v42, v43;
	v11 =	vadd.s32 v44, v11;
	v13 =	vor.u32 v45, v15  }
0x16f: {  	v47 =	vxor.u32 v16, v46;
	v13 =	vxor.u32 v11, v13  }
0x170: {  	v48 =	vshrl.u32 v47, $0x6;
	v49 =	vshrl.u32 v13, $0x11;
	v50 =	vshll.u32 v13, $0xF  }
0x171: {  	v51 =	vshll.u32 v47, $0x1A;
	v11 =	vadd.s32 v11, v13;
	v52 =	vor.u32 v49, v50  }
0x172: {  	v14 =	vadd.s32 v16, v47;
	v15 =	vor.u32 v48, v51;
	v13 =	vxor.u32 v11, v52  }
0x173: {  	v15 =	vxor.u32 v14, v15;
	v53 =	vshrl.u32 v13, $0x6;
	v54 =	vshll.u32 v13, $0x1A  }
0x174: {  	v55 =	vshrl.u32 v15, $0x1A;
	v11 =	vadd.s32 v11, v13;
	v56 =	vor.u32 v53, v54  }
0x175: {  	v57 =	vshll.u32 v15, $0x6;
	v14 =	vadd.s32 v14, v15;
	v13 =	vxor.u32 v11, v56  }
0x176: {  	v58 =	vor.u32 v55, v57;
	v59 =	vshrl.u32 v13, $0x1A;
	v60 =	vshll.u32 v13, $0x6  }
0x177: {  	v15 =	vxor.u32 v14, v58;
	v11 =	vadd.s32 v11, v13;
	v61 =	vor.u32 v59, v60  }
0x178: {  	v14 =	vadd.s32 v10, v14;
	v15 =	vadd.s32 v15, v12;
	v13 =	vxor.u32 v11, v61  }
0x179: {  	v14 =	vxor.u32 v14, v15;
	v10 =	vadd.s32 v10, v11;
	v11 =	vadd.s32 v13, v12  }
0x17a: {  	v62 =	vshrl.u32 v14, $0x5;
	v10 =	vxor.u32 v10, v11  }
0x17b: {  	v11 =	vmulhi.u32 $0xA7C5AC5, v62;
	v63 =	vshrl.u32 v10, $0x5  }
0x17c: {  	v12 =	vmulhi.u32 $0xA7C5AC5, v63  }
0x17d: {  	v11 =	vshrl.u32 v11, $0x7  }
.Ltmp3:
0x17e: {  	v11 =	vmul.u32 $0x186A0, v11;
	v12 =	vshrl.u32 v12, $0x7;
	(pc) =	sbr.rel @p0 .LBB2_5-.Ltmp3, $4  }
0x17f: {  	v12 =	vmul.u32 $0x186A0, v12  }
0x180: {  	s19 =	sshra.s32 s19, $0x2;
	v11 =	vsub.s32 v14, v11  }
0x181: {  	s18 =	sshra.s32 s18, $0x2;
	[tilespmem:s19+$0x80] =	vst v11;
	v10 =	vsub.s32 v10, v12  }
0x182: {  	[tilespmem:s18+$0x80] =	vst v10  }
.Ltmp4:
0x183: {  	(pc) =	sbr.rel .LBB2_6-.Ltmp4, $3  }
0x184: {  	_ =	sdelay $0x1  }
0x185: {  	[tilespmem:s13], [sflag:$0x1] =	stream.indirect.gather [hbm4b:s1+s11], $0x80, s12, s11, $0xb8;
	[tilespmem:$0x4500] =	vst v63  }
0x186: {  	s18 =	simm.s32 $0x20  }
.LBB2_5:
.Ltmp5:
0x187: {  	(pc) =	sbr.rel @p1 .LBB2_15-.Ltmp5, $3  }
0x188: {  	_ =	sdelay $0x1  }
0x189: {  	[tilespmem:s15], [sflag:$0x1] =	stream.indirect.gather [hbm4b:s1+s12], $0x80, s12, s12, $0xb8;
	[tilespmem:$0x4500] =	vst v63  }
0x18a: {  	s18 =	simm.s32 $0x40  }
.LBB2_6:
0x18b: {  	v10 =	vadd.s32 $0x1, v5  }
0x18c: {  	v11 =	vshrl.u32 v10, $0x13;
	v12 =	vshll.u32 v10, $0xD  }
0x18d: {  	v10 =	vadd.s32 v3, v10;
	v11 =	vor.u32 v11, v12  }
0x18e: {  	v11 =	vxor.u32 v10, v11  }
0x18f: {  	v12 =	vshrl.u32 v11, $0x11;
	v13 =	vshll.u32 v11, $0xF  }
0x190: {  	v10 =	vadd.s32 v10, v11;
	v11 =	vor.u32 v12, v13  }
0x191: {  	v11 =	vxor.u32 v10, v11  }
0x192: {  	v12 =	vshrl.u32 v11, $0x6;
	v13 =	vshll.u32 v11, $0x1A  }
0x193: {  	v10 =	vadd.s32 v10, v11;
	v11 =	vor.u32 v12, v13  }
0x194: {  	v11 =	vxor.u32 v10, v11  }
0x195: {  	v12 =	vshrl.u32 v11, $0x1A;
	v13 =	vshll.u32 v11, $0x6  }
0x196: {  	v10 =	vadd.s32 v10, v11;
	v11 =	vor.u32 v12, v13  }
0x197: {  	v11 =	vxor.u32 v10, v11  }
0x198: {  	v6 =	vadd.s32 v11, v6  }
0x199: {  	v10 =	vadd.s32 v5, v10;
	v11 =	vshrl.u32 v6, $0xF;
	v12 =	vshll.u32 v6, $0x11  }
0x19a: {  	v6 =	vadd.s32 v6, v10;
	v10 =	vor.u32 v11, v12  }
0x19b: {  	v10 =	vxor.u32 v6, v10  }
0x19c: {  	v11 =	vshrl.u32 v10, $0x3;
	v12 =	vshll.u32 v10, $0x1D  }
0x19d: {  	v6 =	vadd.s32 v6, v10;
	v10 =	vor.u32 v11, v12  }
0x19e: {  	v10 =	vxor.u32 v6, v10  }
0x19f: {  	v11 =	vshrl.u32 v10, $0x10;
	v12 =	vshll.u32 v10, $0x10  }
0x1a0: {  	v6 =	vadd.s32 v6, v10;
	v10 =	vor.u32 v11, v12  }
0x1a1: {  	v10 =	vxor.u32 v6, v10  }
0x1a2: {  	v11 =	vshrl.u32 v10, $0x8;
	v12 =	vshll.u32 v10, $0x18  }
0x1a3: {  	v6 =	vadd.s32 v6, v10;
	v10 =	vor.u32 v11, v12  }
0x1a4: {  	v10 =	vxor.u32 v6, v10  }
0x1a5: {  	v7 =	vadd.s32 v10, v7  }
0x1a6: {  	v6 =	vadd.s32 v4, v6;
	v10 =	vshrl.u32 v7, $0x13;
	v11 =	vshll.u32 v7, $0xD  }
0x1a7: {  	v6 =	vadd.s32 v7, v6;
	v7 =	vor.u32 v10, v11  }
0x1a8: {  	v7 =	vxor.u32 v6, v7  }
0x1a9: {  	v10 =	vshrl.u32 v7, $0x11;
	v11 =	vshll.u32 v7, $0xF  }
0x1aa: {  	v6 =	vadd.s32 v6, v7;
	v7 =	vor.u32 v10, v11  }
0x1ab: {  	v7 =	vxor.u32 v6, v7  }
0x1ac: {  	v10 =	vshrl.u32 v7, $0x6;
	v11 =	vshll.u32 v7, $0x1A  }
0x1ad: {  	v6 =	vadd.s32 v6, v7;
	v7 =	vor.u32 v10, v11  }
0x1ae: {  	v7 =	vxor.u32 v6, v7  }
0x1af: {  	v10 =	vshrl.u32 v7, $0x1A;
	v11 =	vshll.u32 v7, $0x6  }
0x1b0: {  	v6 =	vadd.s32 v6, v7;
	v7 =	vor.u32 v10, v11  }
0x1b1: {  	v7 =	vxor.u32 v6, v7  }
0x1b2: {  	v7 =	vadd.s32 v7, v8  }
0x1b3: {  	v6 =	vadd.s32 v3, v6;
	v8 =	vshrl.u32 v7, $0xF;
	v10 =	vshll.u32 v7, $0x11  }
0x1b4: {  	v6 =	vadd.s32 v7, v6;
	v7 =	vor.u32 v8, v10  }
0x1b5: {  	v7 =	vxor.u32 v6, v7  }
0x1b6: {  	v8 =	vshrl.u32 v7, $0x3;
	v10 =	vshll.u32 v7, $0x1D  }
0x1b7: {  	v6 =	vadd.s32 v6, v7;
	v7 =	vor.u32 v8, v10  }
0x1b8: {  	v7 =	vxor.u32 v6, v7  }
0x1b9: {  	v8 =	vshrl.u32 v7, $0x10;
	v10 =	vshll.u32 v7, $0x10  }
0x1ba: {  	v6 =	vadd.s32 v6, v7;
	v7 =	vor.u32 v8, v10  }
0x1bb: {  	v7 =	vxor.u32 v6, v7  }
0x1bc: {  	v8 =	vshrl.u32 v7, $0x8;
	v10 =	vshll.u32 v7, $0x18  }
0x1bd: {  	v6 =	vadd.s32 v6, v7;
	v7 =	vor.u32 v8, v10  }
0x1be: {  	v7 =	vxor.u32 v6, v7  }
0x1bf: {  	v7 =	vadd.s32 v7, v9  }
0x1c0: {  	v5 =	vadd.s32 v5, v6;
	v6 =	vshrl.u32 v7, $0x13;
	v8 =	vshll.u32 v7, $0xD  }
0x1c1: {  	v5 =	vadd.s32 v7, v5;
	v6 =	vor.u32 v6, v8  }
0x1c2: {  	v6 =	vxor.u32 v5, v6  }
0x1c3: {  	v7 =	vshrl.u32 v6, $0x11;
	v8 =	vshll.u32 v6, $0xF  }
0x1c4: {  	v5 =	vadd.s32 v5, v6;
	v6 =	vor.u32 v7, v8  }
0x1c5: {  	v6 =	vxor.u32 v5, v6  }
0x1c6: {  	v7 =	vshrl.u32 v6, $0x6;
	v8 =	vshll.u32 v6, $0x1A  }
0x1c7: {  	v5 =	vadd.s32 v5, v6;
	v6 =	vor.u32 v7, v8  }
0x1c8: {  	v6 =	vxor.u32 v5, v6  }
0x1c9: {  	v7 =	vshrl.u32 v6, $0x1A;
	v8 =	vshll.u32 v6, $0x6  }
0x1ca: {  	v6 =	vadd.s32 v5, v6;
	v5 =	vor.u32 v7, v8  }
0x1cb: {  	v5 =	vxor.u32 v6, v5  }
0x1cc: {  	v3 =	vadd.s32 v5, v3  }
0x1cd: {  	s19 =	sadd.s32 $0x0, s6;
	v5 =	vadd.s32 $0x5, v3  }
0x1ce: {  	v3 =	vadd.s32 s19, v5  }
0x1cf: {  	v3 =	vadd.s32 v2, v3  }
0x1d0: {  	v6 =	vadd.s32 v4, v6;
	v4 =	vshrl.u32 v3, $0x13;
	v7 =	vshll.u32 v3, $0xD  }
0x1d1: {  	v3 =	vadd.s32 v6, v3;
	v4 =	vor.u32 v4, v7  }
0x1d2: {  	v4 =	vxor.u32 v3, v4  }
0x1d3: {  	v7 =	vshrl.u32 v4, $0x11;
	v8 =	vshll.u32 v4, $0xF  }
0x1d4: {  	v3 =	vadd.s32 v3, v4;
	v4 =	vor.u32 v7, v8  }
0x1d5: {  	v4 =	vxor.u32 v3, v4  }
0x1d6: {  	v7 =	vshrl.u32 v4, $0x6;
	v8 =	vshll.u32 v4, $0x1A  }
0x1d7: {  	v4 =	vadd.s32 v3, v4;
	v3 =	vor.u32 v7, v8  }
0x1d8: {  	v7 =	vxor.u32 v4, v3  }
0x1d9: {  	v3 =	vxor.u32 v5, v6;
	v8 =	vshrl.u32 v7, $0x1A;
	v9 =	vshll.u32 v7, $0x6  }
0x1da: {  	s20 =	sshll.u32 s18, $0x6;
	v3 =	vxor.u32 $0x1BD11BDA, v3;
	v4 =	vadd.s32 v4, v7;
	v7 =	vor.u32 v8, v9  }
0x1db: {  	p3 =	sne.s32 s20, $0x40;
	v10 =	vadd.s32 $0x1, v3;
	v7 =	vxor.u32 v4, v7  }
.Ltmp6:
0x1dc: {  	v9 =	vadd.s32 $0x2, v6;
	v7 =	vadd.s32 v7, v10;
	(pc) =	sbr.rel @!p3 .LBB2_7-.Ltmp6, $4  }
0x1dd: {  	v4 =	vadd.s32 v5, v4;
	v11 =	vshrl.u32 v7, $0xF;
	v12 =	vshll.u32 v7, $0x11  }
0x1de: {  	v8 =	vadd.s32 $0x3, v5;
	v13 =	vadd.s32 v7, v4;
	v11 =	vor.u32 v11, v12  }
0x1df: {  	s18 =	simm.s32 $0x0;
	v7 =	vadd.s32 $0x4, v3;
	v4 =	vadd.s32 $0x5, v6;
	v11 =	vxor.u32 v13, v11  }
0x1e0: {  	s22 =	simm.s32 $0x10;
	p2 =	por $0x0, $0x0;
	s19 =	simm.s32 $0x40;
	v15 =	vadd.s32 v13, v11;
	v16 =	vshrl.u32 v11, $0x3;
	v17 =	vshll.u32 v11, $0x1D  }
0x1e1: {  	v11 =	vor.u32 v16, v17  }
0x1e2: {  	v11 =	vxor.u32 v15, v11  }
0x1e3: {  	v12 =	vshrl.u32 v11, $0x10;
	v13 =	vshll.u32 v11, $0x10  }
0x1e4: {  	v11 =	vadd.s32 v15, v11;
	v12 =	vor.u32 v12, v13  }
0x1e5: {  	v12 =	vxor.u32 v11, v12  }
0x1e6: {  	v13 =	vshrl.u32 v12, $0x8;
	v14 =	vshll.u32 v12, $0x18  }
0x1e7: {  	v11 =	vadd.s32 v11, v12;
	v12 =	vor.u32 v13, v14  }
0x1e8: {  	v12 =	vxor.u32 v11, v12  }
0x1e9: {  	v12 =	vadd.s32 v12, v9  }
0x1ea: {  	v11 =	vadd.s32 v3, v11;
	v13 =	vshrl.u32 v12, $0x13;
	v14 =	vshll.u32 v12, $0xD  }
0x1eb: {  	v11 =	vadd.s32 v12, v11;
	v12 =	vor.u32 v13, v14  }
0x1ec: {  	s21 =	sadd.s32 $0x10, s6;
	v12 =	vxor.u32 v11, v12  }
0x1ed: {  	v13 =	vadd.s32 s21, v5;
	v14 =	vshrl.u32 v12, $0x11;
	v15 =	vshll.u32 v12, $0xF  }
0x1ee: {  	v13 =	vadd.s32 v2, v13;
	v11 =	vadd.s32 v11, v12;
	v12 =	vor.u32 v14, v15  }
0x1ef: {  	v14 =	vadd.s32 v6, v13;
	v15 =	vshrl.u32 v13, $0x13;
	v12 =	vxor.u32 v11, v12  }
0x1f0: {  	v13 =	vshll.u32 v13, $0xD;
	v16 =	vshrl.u32 v12, $0x6;
	v17 =	vshll.u32 v12, $0x1A  }
0x1f1: {  	v13 =	vor.u32 v15, v13;
	v11 =	vadd.s32 v11, v12;
	v12 =	vor.u32 v16, v17  }
0x1f2: {  	v13 =	vxor.u32 v14, v13;
	v12 =	vxor.u32 v11, v12  }
0x1f3: {  	v15 =	vshrl.u32 v13, $0x11;
	v16 =	vshrl.u32 v12, $0x1A;
	v17 =	vshll.u32 v12, $0x6  }
0x1f4: {  	v18 =	vshll.u32 v13, $0xF;
	v11 =	vadd.s32 v11, v12;
	v12 =	vor.u32 v16, v17  }
0x1f5: {  	v13 =	vadd.s32 v14, v13;
	v14 =	vor.u32 v15, v18;
	v12 =	vxor.u32 v11, v12  }
0x1f6: {  	v14 =	vxor.u32 v13, v14;
	v12 =	vadd.s32 v12, v8  }
0x1f7: {  	v11 =	vadd.s32 v6, v11;
	v15 =	vshrl.u32 v12, $0xF;
	v16 =	vshll.u32 v12, $0x11  }
0x1f8: {  	v13 =	vadd.s32 v13, v14;
	v11 =	vadd.s32 v12, v11;
	v12 =	vor.u32 v15, v16  }
0x1f9: {  	v15 =	vshrl.u32 v14, $0x6;
	v14 =	vshll.u32 v14, $0x1A;
	v12 =	vxor.u32 v11, v12  }
0x1fa: {  	v14 =	vor.u32 v15, v14;
	v15 =	vshrl.u32 v12, $0x3;
	v16 =	vshll.u32 v12, $0x1D  }
0x1fb: {  	v14 =	vxor.u32 v13, v14;
	v11 =	vadd.s32 v11, v12;
	v12 =	vor.u32 v15, v16  }
0x1fc: {  	v13 =	vadd.s32 v13, v14;
	v12 =	vxor.u32 v11, v12  }
0x1fd: {  	v15 =	vshrl.u32 v14, $0x1A;
	v16 =	vshrl.u32 v12, $0x10;
	v17 =	vshll.u32 v12, $0x10  }
0x1fe: {  	v14 =	vshll.u32 v14, $0x6;
	v11 =	vadd.s32 v11, v12;
	v12 =	vor.u32 v16, v17  }
0x1ff: {  	v14 =	vor.u32 v15, v14;
	v15 =	vadd.s32 v5, v13;
	v12 =	vxor.u32 v11, v12  }
0x200: {  	v13 =	vxor.u32 v13, v14;
	v14 =	vshrl.u32 v12, $0x8;
	v16 =	vshll.u32 v12, $0x18  }
0x201: {  	v13 =	vadd.s32 v13, v10;
	v11 =	vadd.s32 v11, v12;
	v12 =	vor.u32 v14, v16  }
0x202: {  	p3 =	sne.s32 s20, $0x80;
	v14 =	vshrl.u32 v13, $0xF;
	v16 =	vshll.u32 v13, $0x11;
	v12 =	vxor.u32 v11, v12  }
.Ltmp7:
0x203: {  	v13 =	vadd.s32 v13, v15;
	v14 =	vor.u32 v14, v16;
	v12 =	vadd.s32 v12, v7;
	(pc) =	sbr.rel @!p3 .LBB2_9-.Ltmp7, $4  }
0x204: {  	v11 =	vadd.s32 v5, v11;
	v15 =	vshrl.u32 v12, $0x13;
	v16 =	vshll.u32 v12, $0xD  }
0x205: {  	v14 =	vxor.u32 v13, v14;
	v11 =	vadd.s32 v12, v11;
	v12 =	vor.u32 v15, v16  }
0x206: {  	s23 =	simm.s32 $0x80;
	v17 =	vshll.u32 v14, $0x1D;
	v15 =	vadd.s32 v13, v14;
	v12 =	vxor.u32 v11, v12  }
0x207: {  	s24 =	simm.s32 $0x20;
	p2 =	por $0x1, $0x1;
	s21 =	simm.s32 $0x0;
	v16 =	vshrl.u32 v14, $0x3;
	v13 =	vshrl.u32 v12, $0x11;
	v14 =	vshll.u32 v12, $0xF  }
.LBB2_10:
0x208: {  	s25 =	sadd.s32 s24, s6;
	v16 =	vor.u32 v16, v17;
	v11 =	vadd.s32 v11, v12;
	v12 =	vor.u32 v13, v14  }
0x209: {  	v13 =	vadd.s32 s25, v5;
	v14 =	vxor.u32 v15, v16;
	v12 =	vxor.u32 v11, v12  }
0x20a: {  	v16 =	vshrl.u32 v14, $0x10;
	v17 =	vshrl.u32 v12, $0x6;
	v18 =	vshll.u32 v12, $0x1A  }
0x20b: {  	v19 =	vshll.u32 v14, $0x10;
	v11 =	vadd.s32 v11, v12;
	v12 =	vor.u32 v17, v18  }
0x20c: {  	v14 =	vadd.s32 v15, v14;
	v15 =	vor.u32 v16, v19;
	v12 =	vxor.u32 v11, v12  }
0x20d: {  	v15 =	vxor.u32 v14, v15;
	v16 =	vshrl.u32 v12, $0x1A;
	v17 =	vshll.u32 v12, $0x6  }
0x20e: {  	v14 =	vadd.s32 v14, v15;
	v11 =	vadd.s32 v11, v12;
	v12 =	vor.u32 v16, v17  }
0x20f: {  	v16 =	vshrl.u32 v15, $0x8;
	v15 =	vshll.u32 v15, $0x18;
	v12 =	vxor.u32 v11, v12  }
0x210: {  	v15 =	vor.u32 v16, v15;
	v11 =	vadd.s32 v3, v11;
	v12 =	vadd.s32 v12, v4  }
0x211: {  	v13 =	vadd.s32 v2, v13;
	v15 =	vxor.u32 v14, v15;
	v11 =	vxor.u32 v11, v12  }
0x212: {  	v12 =	vadd.s32 v3, v14;
	v14 =	vadd.s32 v15, v9;
	v11 =	vshrl.u32 v11, $0x9  }
0x213: {  	v15 =	vshrl.u32 v14, $0x13;
	v16 =	vshll.u32 v14, $0xD;
	v11 =	vor.u32 $0x3F800000, v11  }
0x214: {  	v12 =	vadd.s32 v14, v12;
	v14 =	vor.u32 v15, v16;
	v11 =	vadd.f32 $-1.000000000e+00, v11  }
0x215: {  	v15 =	vadd.s32 v6, v13;
	v14 =	vxor.u32 v12, v14  }
0x216: {  	v16 =	vshrl.u32 v14, $0x11;
	v17 =	vshll.u32 v14, $0xF;
	v11 =	vadd.f32 v11, v11  }
0x217: {  	v18 =	vshrl.u32 v13, $0x13;
	v12 =	vadd.s32 v12, v14;
	v14 =	vor.u32 v16, v17  }
0x218: {  	s25 =	sand.u32 $0xFFFFFE00, s18;
	s18 =	smov.u32 s19;
	s19 =	smov.u32 s23;
	v13 =	vshll.u32 v13, $0xD;
	v14 =	vxor.u32 v12, v14;
	v11 =	vadd.f32 $-1.000000000e+00, v11  }
0x219: {  	s26 =	sand.u32 $0x70, s21;
	s21 =	smov.u32 s22;
	s25 =	sshra.s32 s25, $0x2;
	v13 =	vor.u32 v18, v13;
	v16 =	vshrl.u32 v14, $0x6;
	v17 =	vshll.u32 v14, $0x1A  }
0x21a: {  	s22 =	smov.u32 s24;
	s25 =	sor.u32 s26, s25;
	v12 =	vadd.s32 v12, v14;
	v14 =	vor.u32 v16, v17;
	v11 =	vmax.f32 v11, $-1.000000000e+00  }
0x21b: {  	v13 =	vxor.u32 v15, v13;
	v14 =	vxor.u32 v12, v14;
	[tilespmem:s25+$0x100] =	vst v11  }
0x21c: {  	v11 =	vshrl.u32 v13, $0x11;
	v16 =	vshrl.u32 v14, $0x1A;
	v17 =	vshll.u32 v14, $0x6  }
0x21d: {  	v18 =	vshll.u32 v13, $0xF;
	v12 =	vadd.s32 v12, v14;
	v14 =	vor.u32 v16, v17  }
0x21e: {  	v13 =	vadd.s32 v15, v13;
	v11 =	vor.u32 v11, v18;
	v14 =	vxor.u32 v12, v14  }
0x21f: {  	s23 =	sadd.s32 $0x40, s23;
	v11 =	vxor.u32 v13, v11;
	v14 =	vadd.s32 v14, v8  }
0x220: {  	p3 =	sne.s32 s20, s23;
	v12 =	vadd.s32 v6, v12;
	v15 =	vshrl.u32 v14, $0xF;
	v16 =	vshll.u32 v14, $0x11  }
0x221: {  	v13 =	vadd.s32 v13, v11;
	v12 =	vadd.s32 v14, v12;
	v14 =	vor.u32 v15, v16  }
0x222: {  	v15 =	vshrl.u32 v11, $0x6;
	v11 =	vshll.u32 v11, $0x1A;
	v14 =	vxor.u32 v12, v14  }
0x223: {  	v11 =	vor.u32 v15, v11;
	v15 =	vshrl.u32 v14, $0x3;
	v16 =	vshll.u32 v14, $0x1D  }
0x224: {  	v11 =	vxor.u32 v13, v11;
	v12 =	vadd.s32 v12, v14;
	v14 =	vor.u32 v15, v16  }
0x225: {  	v13 =	vadd.s32 v13, v11;
	v14 =	vxor.u32 v12, v14  }
0x226: {  	v15 =	vshrl.u32 v11, $0x1A;
	v16 =	vshrl.u32 v14, $0x10;
	v17 =	vshll.u32 v14, $0x10  }
0x227: {  	v11 =	vshll.u32 v11, $0x6;
	v12 =	vadd.s32 v12, v14;
	v14 =	vor.u32 v16, v17  }
0x228: {  	v11 =	vor.u32 v15, v11;
	v15 =	vadd.s32 v5, v13;
	v14 =	vxor.u32 v12, v14  }
0x229: {  	v11 =	vxor.u32 v13, v11;
	v13 =	vshrl.u32 v14, $0x8;
	v16 =	vshll.u32 v14, $0x18  }
0x22a: {  	v11 =	vadd.s32 v11, v10;
	v12 =	vadd.s32 v12, v14;
	v13 =	vor.u32 v13, v16  }
0x22b: {  	v14 =	vshrl.u32 v11, $0xF;
	v16 =	vshll.u32 v11, $0x11;
	v13 =	vxor.u32 v12, v13  }
.Ltmp8:
0x22c: {  	v15 =	vadd.s32 v11, v15;
	v11 =	vor.u32 v14, v16;
	v13 =	vadd.s32 v13, v7;
	(pc) =	sbr.rel @p3 .LBB2_10-.Ltmp8, $4  }
0x22d: {  	v12 =	vadd.s32 v5, v12;
	v14 =	vshrl.u32 v13, $0x13;
	v16 =	vshll.u32 v13, $0xD  }
0x22e: {  	v17 =	vxor.u32 v15, v11;
	v11 =	vadd.s32 v13, v12;
	v12 =	vor.u32 v14, v16  }
0x22f: {  	v15 =	vadd.s32 v15, v17;
	v16 =	vshrl.u32 v17, $0x3;
	v12 =	vxor.u32 v11, v12  }
0x230: {  	s24 =	sadd.s32 $0x10, s24;
	v17 =	vshll.u32 v17, $0x1D;
	v13 =	vshrl.u32 v12, $0x11;
	v14 =	vshll.u32 v12, $0xF  }
0x231: {  	s20 =	smov.u32 s18;
	s18 =	smov.u32 s22  }
.LBB2_12:
0x232: {  	v10 =	vor.u32 v16, v17  }
0x233: {  	v10 =	vxor.u32 v15, v10  }
0x234: {  	v25 =	vshrl.u32 v10, $0x10;
	v26 =	vshll.u32 v10, $0x10  }
0x235: {  	v10 =	vadd.s32 v15, v10;
	v27 =	vor.u32 v25, v26  }
0x236: {  	v15 =	vxor.u32 v10, v27  }
0x237: {  	v28 =	vshrl.u32 v15, $0x8;
	v29 =	vshll.u32 v15, $0x18  }
0x238: {  	v10 =	vadd.s32 v10, v15;
	v30 =	vor.u32 v28, v29  }
0x239: {  	v15 =	vxor.u32 v10, v30  }
0x23a: {  	v9 =	vadd.s32 v15, v9  }
0x23b: {  	v10 =	vadd.s32 v3, v10;
	v15 =	vshrl.u32 v9, $0x13;
	v31 =	vshll.u32 v9, $0xD  }
0x23c: {  	v9 =	vadd.s32 v9, v10;
	v32 =	vor.u32 v15, v31  }
0x23d: {  	v10 =	vxor.u32 v9, v32  }
0x23e: {  	v33 =	vshrl.u32 v10, $0x11;
	v34 =	vshll.u32 v10, $0xF  }
0x23f: {  	v9 =	vadd.s32 v9, v10;
	v35 =	vor.u32 v33, v34  }
0x240: {  	v10 =	vxor.u32 v9, v35  }
0x241: {  	v36 =	vshrl.u32 v10, $0x6;
	v37 =	vshll.u32 v10, $0x1A  }
0x242: {  	v9 =	vadd.s32 v9, v10;
	v38 =	vor.u32 v36, v37  }
0x243: {  	v10 =	vxor.u32 v9, v38  }
0x244: {  	v39 =	vshrl.u32 v10, $0x1A;
	v40 =	vshll.u32 v10, $0x6  }
0x245: {  	v9 =	vadd.s32 v9, v10;
	v41 =	vor.u32 v39, v40  }
0x246: {  	v10 =	vxor.u32 v9, v41  }
0x247: {  	v8 =	vadd.s32 v10, v8  }
0x248: {  	v6 =	vadd.s32 v6, v9;
	v42 =	vshrl.u32 v8, $0xF;
	v10 =	vshll.u32 v8, $0x11  }
0x249: {  	v6 =	vadd.s32 v8, v6;
	v43 =	vor.u32 v42, v10  }
0x24a: {  	v8 =	vxor.u32 v6, v43  }
0x24b: {  	v44 =	vshrl.u32 v8, $0x3;
	v45 =	vshll.u32 v8, $0x1D  }
0x24c: {  	v6 =	vadd.s32 v6, v8;
	v46 =	vor.u32 v44, v45  }
0x24d: {  	v8 =	vxor.u32 v6, v46  }
0x24e: {  	v47 =	vshrl.u32 v8, $0x10;
	v48 =	vshll.u32 v8, $0x10  }
0x24f: {  	v6 =	vadd.s32 v6, v8;
	v49 =	vor.u32 v47, v48  }
0x250: {  	v8 =	vxor.u32 v6, v49  }
0x251: {  	v50 =	vshrl.u32 v8, $0x8;
	v51 =	vshll.u32 v8, $0x18  }
0x252: {  	v6 =	vadd.s32 v6, v8;
	v52 =	vor.u32 v50, v51  }
0x253: {  	v8 =	vxor.u32 v6, v52  }
0x254: {  	v9 =	vadd.s32 @p2 v11, v12;
	v7 =	vadd.s32 v8, v7  }
0x255: {  	v5 =	vadd.s32 v5, v6;
	v53 =	vshrl.u32 v7, $0x13;
	v8 =	vshll.u32 v7, $0xD  }
0x256: {  	v10 =	vor.u32 @p2 v13, v14;
	v5 =	vadd.s32 v7, v5;
	v6 =	vor.u32 v53, v8  }
0x257: {  	v7 =	vxor.u32 @p2 v9, v10;
	v6 =	vxor.u32 v5, v6  }
0x258: {  	v8 =	vshrl.u32 @p2 v7, $0x6;
	v54 =	vshrl.u32 v6, $0x11;
	v55 =	vshll.u32 v6, $0xF  }
0x259: {  	v12 =	vshll.u32 @p2 v7, $0x1A;
	v5 =	vadd.s32 v5, v6;
	v56 =	vor.u32 v54, v55  }
0x25a: {  	v7 =	vadd.s32 @p2 v9, v7;
	v8 =	vor.u32 @p2 v8, v12;
	v6 =	vxor.u32 v5, v56  }
0x25b: {  	v8 =	vxor.u32 @p2 v7, v8;
	v57 =	vshrl.u32 v6, $0x6;
	v58 =	vshll.u32 v6, $0x1A  }
0x25c: {  	v11 =	vshrl.u32 @p2 v8, $0x1A;
	v5 =	vadd.s32 v5, v6;
	v59 =	vor.u32 v57, v58  }
0x25d: {  	v9 =	vshll.u32 @p2 v8, $0x6;
	v7 =	vadd.s32 @p2 v7, v8;
	v6 =	vxor.u32 v5, v59  }
0x25e: {  	v8 =	vor.u32 @p2 v11, v9;
	v60 =	vshrl.u32 v6, $0x1A;
	v61 =	vshll.u32 v6, $0x6  }
0x25f: {  	v8 =	vxor.u32 @p2 v7, v8;
	v5 =	vadd.s32 v5, v6;
	v62 =	vor.u32 v60, v61  }
0x260: {  	v7 =	vadd.s32 @p2 v3, v7;
	v8 =	vadd.s32 @p2 v8, v4;
	v6 =	vxor.u32 v5, v62  }
0x261: {  	v7 =	vxor.u32 @p2 v7, v8;
	v3 =	vadd.s32 v3, v5;
	v63 =	vadd.s32 v6, v4  }
0x262: {  	v5 =	vshrl.u32 @p2 v7, $0x9;
	v3 =	vxor.u32 v3, v63  }
0x263: {  	v4 =	vor.u32 @p2 $0x3F800000, v5;
	v3 =	vshrl.u32 v3, $0x9  }
0x264: {  	v4 =	vadd.f32 @p2 $-1.000000000e+00, v4;
	v3 =	vor.u32 $0x3F800000, v3  }
0x265: {  	v3 =	vadd.f32 $-1.000000000e+00, v3  }
0x266: {  	v4 =	vadd.f32 @p2 v4, v4  }
0x267: {  	v3 =	vadd.f32 v3, v3  }
0x268: {  	s20 =	sand.u32 @p2 $0xFFFFFE00, s20;
	v4 =	vadd.f32 @p2 $-1.000000000e+00, v4  }
0x269: {  	s21 =	sand.u32 @p2 $0x70, s21;
	s19 =	sand.u32 $0xFFFFFE00, s19;
	s20 =	sshra.s32 @p2 s20, $0x2;
	v3 =	vadd.f32 $-1.000000000e+00, v3  }
0x26a: {  	s18 =	sand.u32 $0x70, s18;
	s19 =	sshra.s32 s19, $0x2;
	s20 =	sor.u32 @p2 s21, s20;
	v4 =	vmax.f32 @p2 v4, $-1.000000000e+00  }
0x26b: {  	s18 =	sor.u32 s18, s19;
	[tilespmem:s20+$0x100] =	vst @p2 v4;
	v3 =	vmax.f32 v3, $-1.000000000e+00  }
0x26c: {  	s19 =	simm.s32 @p0 $0x100;
	[tilespmem:s18+$0x100] =	vst v3;
	s18 =	simm.s32 @p0 $0x0  }
0x26d: {  	[hbm4b:s7+s18] =	stream.linear.scatter @p0 [tilespmem:s19], [sflag:$0x2], $0x400, $0x38;
	[tilespmem:$0x4500] =	vst v63  }
0x26e: {  	s19 =	simm.s32 @p0 $0x1  }
0x26f: {  	_ =	swait.ge @p0 [sflag:s19], $0x4000  }
0x270: {  	[sflag:s19] =	ssyncset.done @p0 $0x0  }
0x271: {  	[sflag:s19] =	ssyncadd.s32 @p0 $0xFFFFC000;
	s19 =	simm.s32 @p0 $0x500  }
0x272: {  	[hbm4b:s8+s18] =	stream.linear.scatter @p0 [tilespmem:s19], [sflag:$0x3], $0x4000, $0x38;
	[tilespmem:$0x4500] =	vst v63  }
0x273: {  	s18 =	simm.s32 @p0 $0x3  }
0x274: {  	_ =	swait.ge @p0 [sflag:s18], $0x4000  }
0x275: {  	[sflag:s18] =	ssyncset.done @p0 $0x0  }
0x276: {  	[sflag:s18] =	ssyncadd.s32 @p0 $0xFFFFC000;
	s18 =	simm.s32 @!p0 $0x1  }
0x277: {  	_ =	swait.ge @!p0 [sflag:s18], $0x200  }
0x278: {  	s19 =	simm.s32 @!p0 $0x100;
	[sflag:s18] =	ssyncset.done @!p0 $0x0  }
.Ltmp9:
0x279: {  	[sflag:s18] =	ssyncadd.s32 @!p0 $0xFFFFFE00;
	s18 =	simm.s32 @!p0 $0x0;
	(pc) =	sbr.rel .LBB2_13-.Ltmp9, $4  }
0x27a: {  	[hbm4b:s7+s18] =	stream.linear.scatter @!p0 [tilespmem:s19], [sflag:$0x2], $0x400, $0x38;
	[tilespmem:$0x4500] =	vst v63  }
0x27b: {  	_ =	swait.ge [sflag:s14], $0x400  }
0x27c: {  	[sflag:s14] =	ssyncset.done $0x0  }
0x27d: {  	[sflag:s14] =	ssyncadd.s32 $0xFFFFFC00  }
.LBB2_7:
.Ltmp10:
0x27e: {  	(pc) =	sbr.rel .LBB2_12-.Ltmp10, $2  }
0x27f: {  	_ =	sdelay $0x2  }
0x280: {  	s19 =	simm.s32 $0x0  }
.LBB2_9:
.Ltmp11:
0x281: {  	(pc) =	sbr.rel .LBB2_12-.Ltmp11, $2  }
0x282: {  	_ =	sdelay $0x2  }
0x283: {  	s20 =	simm.s32 $0x0;
	s21 =	simm.s32 $0x0;
	s18 =	simm.s32 $0x10  }
.LBB2_14:
0x284: {  	_ =	sfence.sel $0x180000  }
0x285: {  	[bflag:$0x0] =	sbarrier.arrive $0xFFFF  }
0x286: {  	p0 =	sne.s32 s2, $0x0;
	_ =	strace $0x90000047  }
0x287: {  	s0 =	sadd.s32 @!p0 $0x100000, s0;
	[bflag:$0x2] =	sbarrier.arrive $0xFFFF  }
0x288: {  	[sflag:s0] =	ssyncadd.tile.s32 @!p0 $0x1;
	_ =	shalt  }
.Lfunc_end2:
_tile_overlayer_lowered:
.L_overlay_start_2:
0x289: {  	(tag) =	ssettag $0x2  }
0x28a: {  	s0 =	rddreg [dreg:$0x0];
	s2 =	stileid.u32  }
0x28b: {  	s1 =	rddreg [dreg:$0x1];
	p0 =	sne.s32 s2, $0x0  }
0x28c: {  	s3 =	rddreg [dreg:$0x2];
	[bflag:$0x3] =	sbarrier.arrive $0xFFFF;
	s2 =	simm.s32 @!p0 $0x1C03  }
0x28d: {  	[timem:s3], [sflag:s2] =	dma.local @!p0 [hbm:s0], s1  }
0x28e: {  	s0 =	simm.s32 @!p0 $0x3  }
0x28f: {  	_ =	swait.ge @!p0 [sflag:s0], s1  }
0x290: {  	s1 =	ssub.s32 @!p0 $0x0, s1;
	[sflag:s0] =	ssyncset.done @!p0 $0x0  }
0x291: {  	[sflag:s0] =	ssyncadd.s32 @!p0 s1  }
0x292: {  	[bflag:$0x3] =	sbarrier.arrive $0xFFFF  }
0x293: {  	_ =	shalt  }

</sc_bundles>
